<compile_context>
chip_gen: v7x
topology: tpu7x:2x2x1
jax: 0.10.2.dev20260603
libtpu: 0.0.44.dev20260713+nightly
codegen_flags: <defaults>
</compile_context>

<pallas_src>
import functools

import jax
import jax.numpy as jnp
from jax import lax
from jax.experimental import pallas as pl
from jax.experimental.pallas import tpu as pltpu
from jax.experimental.pallas import tpu_sc as plsc

MAXLEN = 200
EMBED_DIM = 32
NUM_WORKERS = 32
SEQ_PER_CHUNK = 8
CHUNK = SEQ_PER_CHUNK * MAXLEN


def _gather_slices(chunk):
    slices = []
    off = 0
    while off < chunk:
        size = min(128, chunk - off)
        slices.append((off, size))
        off += size
    return slices


@functools.partial(jax.jit, static_argnames=("n_rows",))
def _embed(x_flat, token_table, pos_table, n_rows):
    per_w = n_rows // NUM_WORKERS
    n_chunks = per_w // CHUNK
    slices = _gather_slices(CHUNK)
    mesh = plsc.VectorSubcoreMesh(core_axis_name="c", subcore_axis_name="s")

    @functools.partial(
        pl.kernel,
        mesh=mesh,
        out_type=jax.ShapeDtypeStruct((n_rows, EMBED_DIM), jnp.float32),
        scratch_types=[
            pltpu.VMEM((CHUNK,), jnp.int32),
            pltpu.VMEM((CHUNK, EMBED_DIM), jnp.float32),
            pltpu.VMEM((MAXLEN, EMBED_DIM), jnp.float32),
            pltpu.SemaphoreType.DMA,
        ],
        compiler_params=pltpu.CompilerParams(use_tc_tiling_on_sc=False),
    )
    def k(x_hbm, tok_hbm, pos_hbm, out_hbm, idx_v, rows_v, pos_v, sem):
        wid = lax.axis_index("s") * 2 + lax.axis_index("c")
        base = wid * per_w
        pltpu.sync_copy(pos_hbm, pos_v)

        def chunk_body(c, carry):
            off = base + c * CHUNK
            pltpu.sync_copy(x_hbm.at[pl.ds(off, CHUNK)], idx_v)
            for s_off, s_size in slices:
                pltpu.async_copy(
                    tok_hbm.at[idx_v.at[pl.ds(s_off, s_size)]],
                    rows_v.at[pl.ds(s_off, s_size)],
                    sem,
                )
            for s_off, s_size in slices:
                pltpu.make_async_copy(
                    tok_hbm.at[idx_v.at[pl.ds(s_off, s_size)]],
                    rows_v.at[pl.ds(s_off, s_size)],
                    sem,
                ).wait()

            def seq_body(s, carry2):
                def row_body(p, carry3):
                    r = s * MAXLEN + p
                    rows_v[r, pl.ds(0, 16)] = (
                        rows_v[r, pl.ds(0, 16)] + pos_v[p, pl.ds(0, 16)]
                    )
                    rows_v[r, pl.ds(16, 16)] = (
                        rows_v[r, pl.ds(16, 16)] + pos_v[p, pl.ds(16, 16)]
                    )
                    return carry3

                return lax.fori_loop(0, MAXLEN, row_body, carry2)

            lax.fori_loop(0, SEQ_PER_CHUNK, seq_body, 0)
            pltpu.sync_copy(rows_v, out_hbm.at[pl.ds(off, CHUNK)])
            return carry

        lax.fori_loop(0, n_chunks, chunk_body, 0)

    return k(x_flat, token_table, pos_table)


def kernel(x, token_table, pos_table):
    batch, maxlen = x.shape
    n_rows = batch * maxlen
    x_flat = x.reshape(n_rows).astype(jnp.int32)
    out = _embed(x_flat, token_table, pos_table, n_rows)
    return out.reshape(batch, maxlen, EMBED_DIM)

# --- scband reference (transcript-rebuilt; emitter-appended) ---
"""Pipeline reference for scband-token-and-position-embedding-23192823398629 (READ-ONLY COPY).

The authoritative reference and input builder live on the scoring server;
editing this copy changes nothing except your own understanding.
"""

import jax, jax.numpy as jnp
import numpy as np

MAXLEN = 200
VOCAB_SIZE = 1000000
EMBED_DIM = 32
BATCH = 4096

def setup_inputs(seed: int = 0) -> dict:
    key = jax.random.key(seed)
    k1, k2, k3 = jax.random.split(key, 3)
    x = jax.random.randint(k1, (BATCH, MAXLEN), 0, VOCAB_SIZE, dtype=jnp.int64 if jax.config.jax_enable_x64 else jnp.int32)
    token_table = jax.random.normal(k2, (VOCAB_SIZE, EMBED_DIM), dtype=jnp.float32) * 0.02
    pos_table = jax.random.normal(k3, (MAXLEN, EMBED_DIM), dtype=jnp.float32) * 0.02
    return {"x": x, "token_table": token_table, "pos_table": pos_table}

def reference(x, token_table, pos_table):
    maxlen = x.shape[-1]
    positions = jnp.arange(maxlen)
    pos_emb = jnp.take(pos_table, positions, axis=0)          # [maxlen, D]
    tok_emb = jnp.take(token_table, x, axis=0)                # [B, maxlen, D]
    return tok_emb + pos_emb[None, :, :]

if __name__ == "__main__":
    import jax
    _d = setup_inputs()
    print(jax.jit(kernel)(*tuple(_d.values())))

</pallas_src>

<mosaic_0001>
#map = affine_map<(d0, d1) -> (0)>
#map1 = affine_map<(d0, d1) -> (0, 0)>
module attributes {stable_mosaic.version = 14 : i64} {
  func.func @k(%arg0: i32, %arg1: i32, %arg2: memref<819200xi32, #tpu.memory_space<hbm>>, %arg3: memref<1000000x32xf32, #tpu.memory_space<hbm>>, %arg4: memref<200x32xf32, #tpu.memory_space<hbm>>, %arg5: memref<819200x32xf32, #tpu.memory_space<hbm>>, %arg6: memref<1600xi32, #tpu.memory_space<vmem>>, %arg7: memref<1600x32xf32, #tpu.memory_space<vmem>>, %arg8: memref<200x32xf32, #tpu.memory_space<vmem>>, %arg9: memref<!tpu.dma_semaphore, #tpu.memory_space<semaphore_mem>>) attributes {dimension_semantics = [#tpu.dimension_semantics<core_parallel>, #tpu.dimension_semantics<subcore_parallel>], iteration_bounds = array<i64: 2, 16>, scalar_prefetch = 0 : i64, scratch_operands = 4 : i64, tpu.core_type = #tpu.core_type<sc_vector_subcore>, window_params = [{transform_indices = #map}, {transform_indices = #map1}, {transform_indices = #map1}, {transform_indices = #map1}]} {
    %mul3A = arith.constant 2 : i32
    %mul3A_0 = arith.muli %arg1, %mul3A : i32
    %add3A = arith.addi %mul3A_0, %arg0 : i32
    %mul3A_1 = arith.constant 25600 : i32
    %mul3A_2 = arith.muli %add3A, %mul3A_1 : i32
    "tpu.region"() ({
      %run_scoped3A = tpu.sem_alloc : memref<!tpu.dma_semaphore, #tpu.memory_space<semaphore_mem>>
      tpu.enqueue_dma source(%arg4 : memref<200x32xf32, #tpu.memory_space<hbm>>) target(%arg8 : memref<200x32xf32, #tpu.memory_space<vmem>>) target_semaphore(%run_scoped3A : memref<!tpu.dma_semaphore, #tpu.memory_space<semaphore_mem>>)
      tpu.wait_dma2 semaphore(%run_scoped3A : memref<!tpu.dma_semaphore, #tpu.memory_space<semaphore_mem>>) src(%arg4 : memref<200x32xf32, #tpu.memory_space<hbm>>) dst(%arg8 : memref<200x32xf32, #tpu.memory_space<vmem>>)
      tpu.yield
    }) : () -> ()
    %scan3A = arith.constant 0 : i32
    %scan3A_3 = arith.constant 0 : i32
    %scan3A_4 = arith.constant 16 : i32
    %scan3A_5 = arith.addi %scan3A_3, %scan3A_4 : i32
    %scan3A_6 = arith.constant 1 : i32
    scf.for %scan3A_8 = %scan3A_3 to %scan3A_5 step %scan3A_6  : i32 {
      %mul3A_9 = arith.constant 1600 : i32
      %mul3A_10 = arith.muli %scan3A_8, %mul3A_9 : i32
      %add3A_11 = arith.addi %mul3A_2, %mul3A_10 : i32
      "tpu.region"() ({
        %run_scoped3A = tpu.sem_alloc : memref<!tpu.dma_semaphore, #tpu.memory_space<semaphore_mem>>
        %dma_start3A_224 = tpu.memref_slice %arg2[%add3A_11] : memref<819200xi32, #tpu.memory_space<hbm>> -> memref<1600xi32, #tpu.memory_space<hbm>>
        %dma_start3A_225 = tpu.memref_slice %arg2[%add3A_11] : memref<819200xi32, #tpu.memory_space<hbm>> -> memref<1600xi32, #tpu.memory_space<hbm>>
        tpu.enqueue_dma source(%dma_start3A_225 : memref<1600xi32, #tpu.memory_space<hbm>>) target(%arg6 : memref<1600xi32, #tpu.memory_space<vmem>>) target_semaphore(%run_scoped3A : memref<!tpu.dma_semaphore, #tpu.memory_space<semaphore_mem>>)
        %dma_wait3A_226 = tpu.memref_slice %arg2[%add3A_11] : memref<819200xi32, #tpu.memory_space<hbm>> -> memref<1600xi32, #tpu.memory_space<hbm>>
        %dma_wait3A_227 = tpu.memref_slice %arg2[%add3A_11] : memref<819200xi32, #tpu.memory_space<hbm>> -> memref<1600xi32, #tpu.memory_space<hbm>>
        tpu.wait_dma2 semaphore(%run_scoped3A : memref<!tpu.dma_semaphore, #tpu.memory_space<semaphore_mem>>) src(%dma_wait3A_227 : memref<1600xi32, #tpu.memory_space<hbm>>) dst(%arg6 : memref<1600xi32, #tpu.memory_space<vmem>>)
        tpu.yield
      }) : () -> ()
      %dma_start3A = arith.constant 0 : i32
      %dma_start3A_12 = arith.constant 0 : i32
      %dma_start3A_13 = tpu.memref_slice %arg7[%dma_start3A, %dma_start3A_12] : memref<1600x32xf32, #tpu.memory_space<vmem>> -> memref<128x32xf32, #tpu.memory_space<vmem>>
      %dma_start3A_14 = arith.constant 0 : i32
      %dma_start3A_15 = tpu.memref_slice %arg6[%dma_start3A_14] : memref<1600xi32, #tpu.memory_space<vmem>> -> memref<128xi32, #tpu.memory_space<vmem>>
      %dma_start3A_16 = arith.constant 0 : i32
      %dma_start3A_17 = arith.constant 0 : i32
      %dma_start3A_18 = tpu.memref_slice %arg3[%dma_start3A_16, %dma_start3A_17] : memref<1000000x32xf32, #tpu.memory_space<hbm>> -> memref<1000000x32xf32, #tpu.memory_space<hbm>>
      tpu.enqueue_indirect_dma source(%dma_start3A_18 : memref<1000000x32xf32, #tpu.memory_space<hbm>>) target(%dma_start3A_13 : memref<128x32xf32, #tpu.memory_space<vmem>>) offsets(%dma_start3A_15 : memref<128xi32, #tpu.memory_space<vmem>>) semaphore(%arg9 : memref<!tpu.dma_semaphore, #tpu.memory_space<semaphore_mem>>)
      %dma_start3A_19 = arith.constant 128 : i32
      %dma_start3A_20 = arith.constant 0 : i32
      %dma_start3A_21 = tpu.memref_slice %arg7[%dma_start3A_19, %dma_start3A_20] : memref<1600x32xf32, #tpu.memory_space<vmem>> -> memref<128x32xf32, #tpu.memory_space<vmem>>
      %dma_start3A_22 = arith.constant 128 : i32
      %dma_start3A_23 = tpu.memref_slice %arg6[%dma_start3A_22] : memref<1600xi32, #tpu.memory_space<vmem>> -> memref<128xi32, #tpu.memory_space<vmem>>
      %dma_start3A_24 = arith.constant 0 : i32
      %dma_start3A_25 = arith.constant 0 : i32
      %dma_start3A_26 = tpu.memref_slice %arg3[%dma_start3A_24, %dma_start3A_25] : memref<1000000x32xf32, #tpu.memory_space<hbm>> -> memref<1000000x32xf32, #tpu.memory_space<hbm>>
      tpu.enqueue_indirect_dma source(%dma_start3A_26 : memref<1000000x32xf32, #tpu.memory_space<hbm>>) target(%dma_start3A_21 : memref<128x32xf32, #tpu.memory_space<vmem>>) offsets(%dma_start3A_23 : memref<128xi32, #tpu.memory_space<vmem>>) semaphore(%arg9 : memref<!tpu.dma_semaphore, #tpu.memory_space<semaphore_mem>>)
      %dma_start3A_27 = arith.constant 256 : i32
      %dma_start3A_28 = arith.constant 0 : i32
      %dma_start3A_29 = tpu.memref_slice %arg7[%dma_start3A_27, %dma_start3A_28] : memref<1600x32xf32, #tpu.memory_space<vmem>> -> memref<128x32xf32, #tpu.memory_space<vmem>>
      %dma_start3A_30 = arith.constant 256 : i32
      %dma_start3A_31 = tpu.memref_slice %arg6[%dma_start3A_30] : memref<1600xi32, #tpu.memory_space<vmem>> -> memref<128xi32, #tpu.memory_space<vmem>>
      %dma_start3A_32 = arith.constant 0 : i32
      %dma_start3A_33 = arith.constant 0 : i32
      %dma_start3A_34 = tpu.memref_slice %arg3[%dma_start3A_32, %dma_start3A_33] : memref<1000000x32xf32, #tpu.memory_space<hbm>> -> memref<1000000x32xf32, #tpu.memory_space<hbm>>
      tpu.enqueue_indirect_dma source(%dma_start3A_34 : memref<1000000x32xf32, #tpu.memory_space<hbm>>) target(%dma_start3A_29 : memref<128x32xf32, #tpu.memory_space<vmem>>) offsets(%dma_start3A_31 : memref<128xi32, #tpu.memory_space<vmem>>) semaphore(%arg9 : memref<!tpu.dma_semaphore, #tpu.memory_space<semaphore_mem>>)
      %dma_start3A_35 = arith.constant 384 : i32
      %dma_start3A_36 = arith.constant 0 : i32
      %dma_start3A_37 = tpu.memref_slice %arg7[%dma_start3A_35, %dma_start3A_36] : memref<1600x32xf32, #tpu.memory_space<vmem>> -> memref<128x32xf32, #tpu.memory_space<vmem>>
      %dma_start3A_38 = arith.constant 384 : i32
      %dma_start3A_39 = tpu.memref_slice %arg6[%dma_start3A_38] : memref<1600xi32, #tpu.memory_space<vmem>> -> memref<128xi32, #tpu.memory_space<vmem>>
      %dma_start3A_40 = arith.constant 0 : i32
      %dma_start3A_41 = arith.constant 0 : i32
      %dma_start3A_42 = tpu.memref_slice %arg3[%dma_start3A_40, %dma_start3A_41] : memref<1000000x32xf32, #tpu.memory_space<hbm>> -> memref<1000000x32xf32, #tpu.memory_space<hbm>>
      tpu.enqueue_indirect_dma source(%dma_start3A_42 : memref<1000000x32xf32, #tpu.memory_space<hbm>>) target(%dma_start3A_37 : memref<128x32xf32, #tpu.memory_space<vmem>>) offsets(%dma_start3A_39 : memref<128xi32, #tpu.memory_space<vmem>>) semaphore(%arg9 : memref<!tpu.dma_semaphore, #tpu.memory_space<semaphore_mem>>)
      %dma_start3A_43 = arith.constant 512 : i32
      %dma_start3A_44 = arith.constant 0 : i32
      %dma_start3A_45 = tpu.memref_slice %arg7[%dma_start3A_43, %dma_start3A_44] : memref<1600x32xf32, #tpu.memory_space<vmem>> -> memref<128x32xf32, #tpu.memory_space<vmem>>
      %dma_start3A_46 = arith.constant 512 : i32
      %dma_start3A_47 = tpu.memref_slice %arg6[%dma_start3A_46] : memref<1600xi32, #tpu.memory_space<vmem>> -> memref<128xi32, #tpu.memory_space<vmem>>
      %dma_start3A_48 = arith.constant 0 : i32
      %dma_start3A_49 = arith.constant 0 : i32
      %dma_start3A_50 = tpu.memref_slice %arg3[%dma_start3A_48, %dma_start3A_49] : memref<1000000x32xf32, #tpu.memory_space<hbm>> -> memref<1000000x32xf32, #tpu.memory_space<hbm>>
      tpu.enqueue_indirect_dma source(%dma_start3A_50 : memref<1000000x32xf32, #tpu.memory_space<hbm>>) target(%dma_start3A_45 : memref<128x32xf32, #tpu.memory_space<vmem>>) offsets(%dma_start3A_47 : memref<128xi32, #tpu.memory_space<vmem>>) semaphore(%arg9 : memref<!tpu.dma_semaphore, #tpu.memory_space<semaphore_mem>>)
      %dma_start3A_51 = arith.constant 640 : i32
      %dma_start3A_52 = arith.constant 0 : i32
      %dma_start3A_53 = tpu.memref_slice %arg7[%dma_start3A_51, %dma_start3A_52] : memref<1600x32xf32, #tpu.memory_space<vmem>> -> memref<128x32xf32, #tpu.memory_space<vmem>>
      %dma_start3A_54 = arith.constant 640 : i32
      %dma_start3A_55 = tpu.memref_slice %arg6[%dma_start3A_54] : memref<1600xi32, #tpu.memory_space<vmem>> -> memref<128xi32, #tpu.memory_space<vmem>>
      %dma_start3A_56 = arith.constant 0 : i32
      %dma_start3A_57 = arith.constant 0 : i32
      %dma_start3A_58 = tpu.memref_slice %arg3[%dma_start3A_56, %dma_start3A_57] : memref<1000000x32xf32, #tpu.memory_space<hbm>> -> memref<1000000x32xf32, #tpu.memory_space<hbm>>
      tpu.enqueue_indirect_dma source(%dma_start3A_58 : memref<1000000x32xf32, #tpu.memory_space<hbm>>) target(%dma_start3A_53 : memref<128x32xf32, #tpu.memory_space<vmem>>) offsets(%dma_start3A_55 : memref<128xi32, #tpu.memory_space<vmem>>) semaphore(%arg9 : memref<!tpu.dma_semaphore, #tpu.memory_space<semaphore_mem>>)
      %dma_start3A_59 = arith.constant 768 : i32
      %dma_start3A_60 = arith.constant 0 : i32
      %dma_start3A_61 = tpu.memref_slice %arg7[%dma_start3A_59, %dma_start3A_60] : memref<1600x32xf32, #tpu.memory_space<vmem>> -> memref<128x32xf32, #tpu.memory_space<vmem>>
      %dma_start3A_62 = arith.constant 768 : i32
      %dma_start3A_63 = tpu.memref_slice %arg6[%dma_start3A_62] : memref<1600xi32, #tpu.memory_space<vmem>> -> memref<128xi32, #tpu.memory_space<vmem>>
      %dma_start3A_64 = arith.constant 0 : i32
      %dma_start3A_65 = arith.constant 0 : i32
      %dma_start3A_66 = tpu.memref_slice %arg3[%dma_start3A_64, %dma_start3A_65] : memref<1000000x32xf32, #tpu.memory_space<hbm>> -> memref<1000000x32xf32, #tpu.memory_space<hbm>>
      tpu.enqueue_indirect_dma source(%dma_start3A_66 : memref<1000000x32xf32, #tpu.memory_space<hbm>>) target(%dma_start3A_61 : memref<128x32xf32, #tpu.memory_space<vmem>>) offsets(%dma_start3A_63 : memref<128xi32, #tpu.memory_space<vmem>>) semaphore(%arg9 : memref<!tpu.dma_semaphore, #tpu.memory_space<semaphore_mem>>)
      %dma_start3A_67 = arith.constant 896 : i32
      %dma_start3A_68 = arith.constant 0 : i32
      %dma_start3A_69 = tpu.memref_slice %arg7[%dma_start3A_67, %dma_start3A_68] : memref<1600x32xf32, #tpu.memory_space<vmem>> -> memref<128x32xf32, #tpu.memory_space<vmem>>
      %dma_start3A_70 = arith.constant 896 : i32
      %dma_start3A_71 = tpu.memref_slice %arg6[%dma_start3A_70] : memref<1600xi32, #tpu.memory_space<vmem>> -> memref<128xi32, #tpu.memory_space<vmem>>
      %dma_start3A_72 = arith.constant 0 : i32
      %dma_start3A_73 = arith.constant 0 : i32
      %dma_start3A_74 = tpu.memref_slice %arg3[%dma_start3A_72, %dma_start3A_73] : memref<1000000x32xf32, #tpu.memory_space<hbm>> -> memref<1000000x32xf32, #tpu.memory_space<hbm>>
      tpu.enqueue_indirect_dma source(%dma_start3A_74 : memref<1000000x32xf32, #tpu.memory_space<hbm>>) target(%dma_start3A_69 : memref<128x32xf32, #tpu.memory_space<vmem>>) offsets(%dma_start3A_71 : memref<128xi32, #tpu.memory_space<vmem>>) semaphore(%arg9 : memref<!tpu.dma_semaphore, #tpu.memory_space<semaphore_mem>>)
      %dma_start3A_75 = arith.constant 1024 : i32
      %dma_start3A_76 = arith.constant 0 : i32
      %dma_start3A_77 = tpu.memref_slice %arg7[%dma_start3A_75, %dma_start3A_76] : memref<1600x32xf32, #tpu.memory_space<vmem>> -> memref<128x32xf32, #tpu.memory_space<vmem>>
      %dma_start3A_78 = arith.constant 1024 : i32
      %dma_start3A_79 = tpu.memref_slice %arg6[%dma_start3A_78] : memref<1600xi32, #tpu.memory_space<vmem>> -> memref<128xi32, #tpu.memory_space<vmem>>
      %dma_start3A_80 = arith.constant 0 : i32
      %dma_start3A_81 = arith.constant 0 : i32
      %dma_start3A_82 = tpu.memref_slice %arg3[%dma_start3A_80, %dma_start3A_81] : memref<1000000x32xf32, #tpu.memory_space<hbm>> -> memref<1000000x32xf32, #tpu.memory_space<hbm>>
      tpu.enqueue_indirect_dma source(%dma_start3A_82 : memref<1000000x32xf32, #tpu.memory_space<hbm>>) target(%dma_start3A_77 : memref<128x32xf32, #tpu.memory_space<vmem>>) offsets(%dma_start3A_79 : memref<128xi32, #tpu.memory_space<vmem>>) semaphore(%arg9 : memref<!tpu.dma_semaphore, #tpu.memory_space<semaphore_mem>>)
      %dma_start3A_83 = arith.constant 1152 : i32
      %dma_start3A_84 = arith.constant 0 : i32
      %dma_start3A_85 = tpu.memref_slice %arg7[%dma_start3A_83, %dma_start3A_84] : memref<1600x32xf32, #tpu.memory_space<vmem>> -> memref<128x32xf32, #tpu.memory_space<vmem>>
      %dma_start3A_86 = arith.constant 1152 : i32
      %dma_start3A_87 = tpu.memref_slice %arg6[%dma_start3A_86] : memref<1600xi32, #tpu.memory_space<vmem>> -> memref<128xi32, #tpu.memory_space<vmem>>
      %dma_start3A_88 = arith.constant 0 : i32
      %dma_start3A_89 = arith.constant 0 : i32
      %dma_start3A_90 = tpu.memref_slice %arg3[%dma_start3A_88, %dma_start3A_89] : memref<1000000x32xf32, #tpu.memory_space<hbm>> -> memref<1000000x32xf32, #tpu.memory_space<hbm>>
      tpu.enqueue_indirect_dma source(%dma_start3A_90 : memref<1000000x32xf32, #tpu.memory_space<hbm>>) target(%dma_start3A_85 : memref<128x32xf32, #tpu.memory_space<vmem>>) offsets(%dma_start3A_87 : memref<128xi32, #tpu.memory_space<vmem>>) semaphore(%arg9 : memref<!tpu.dma_semaphore, #tpu.memory_space<semaphore_mem>>)
      %dma_start3A_91 = arith.constant 1280 : i32
      %dma_start3A_92 = arith.constant 0 : i32
      %dma_start3A_93 = tpu.memref_slice %arg7[%dma_start3A_91, %dma_start3A_92] : memref<1600x32xf32, #tpu.memory_space<vmem>> -> memref<128x32xf32, #tpu.memory_space<vmem>>
      %dma_start3A_94 = arith.constant 1280 : i32
      %dma_start3A_95 = tpu.memref_slice %arg6[%dma_start3A_94] : memref<1600xi32, #tpu.memory_space<vmem>> -> memref<128xi32, #tpu.memory_space<vmem>>
      %dma_start3A_96 = arith.constant 0 : i32
      %dma_start3A_97 = arith.constant 0 : i32
      %dma_start3A_98 = tpu.memref_slice %arg3[%dma_start3A_96, %dma_start3A_97] : memref<1000000x32xf32, #tpu.memory_space<hbm>> -> memref<1000000x32xf32, #tpu.memory_space<hbm>>
      tpu.enqueue_indirect_dma source(%dma_start3A_98 : memref<1000000x32xf32, #tpu.memory_space<hbm>>) target(%dma_start3A_93 : memref<128x32xf32, #tpu.memory_space<vmem>>) offsets(%dma_start3A_95 : memref<128xi32, #tpu.memory_space<vmem>>) semaphore(%arg9 : memref<!tpu.dma_semaphore, #tpu.memory_space<semaphore_mem>>)
      %dma_start3A_99 = arith.constant 1408 : i32
      %dma_start3A_100 = arith.constant 0 : i32
      %dma_start3A_101 = tpu.memref_slice %arg7[%dma_start3A_99, %dma_start3A_100] : memref<1600x32xf32, #tpu.memory_space<vmem>> -> memref<128x32xf32, #tpu.memory_space<vmem>>
      %dma_start3A_102 = arith.constant 1408 : i32
      %dma_start3A_103 = tpu.memref_slice %arg6[%dma_start3A_102] : memref<1600xi32, #tpu.memory_space<vmem>> -> memref<128xi32, #tpu.memory_space<vmem>>
      %dma_start3A_104 = arith.constant 0 : i32
      %dma_start3A_105 = arith.constant 0 : i32
      %dma_start3A_106 = tpu.memref_slice %arg3[%dma_start3A_104, %dma_start3A_105] : memref<1000000x32xf32, #tpu.memory_space<hbm>> -> memref<1000000x32xf32, #tpu.memory_space<hbm>>
      tpu.enqueue_indirect_dma source(%dma_start3A_106 : memref<1000000x32xf32, #tpu.memory_space<hbm>>) target(%dma_start3A_101 : memref<128x32xf32, #tpu.memory_space<vmem>>) offsets(%dma_start3A_103 : memref<128xi32, #tpu.memory_space<vmem>>) semaphore(%arg9 : memref<!tpu.dma_semaphore, #tpu.memory_space<semaphore_mem>>)
      %dma_start3A_107 = arith.constant 1536 : i32
      %dma_start3A_108 = arith.constant 0 : i32
      %dma_start3A_109 = tpu.memref_slice %arg7[%dma_start3A_107, %dma_start3A_108] : memref<1600x32xf32, #tpu.memory_space<vmem>> -> memref<64x32xf32, #tpu.memory_space<vmem>>
      %dma_start3A_110 = arith.constant 1536 : i32
      %dma_start3A_111 = tpu.memref_slice %arg6[%dma_start3A_110] : memref<1600xi32, #tpu.memory_space<vmem>> -> memref<64xi32, #tpu.memory_space<vmem>>
      %dma_start3A_112 = arith.constant 0 : i32
      %dma_start3A_113 = arith.constant 0 : i32
      %dma_start3A_114 = tpu.memref_slice %arg3[%dma_start3A_112, %dma_start3A_113] : memref<1000000x32xf32, #tpu.memory_space<hbm>> -> memref<1000000x32xf32, #tpu.memory_space<hbm>>
      tpu.enqueue_indirect_dma source(%dma_start3A_114 : memref<1000000x32xf32, #tpu.memory_space<hbm>>) target(%dma_start3A_109 : memref<64x32xf32, #tpu.memory_space<vmem>>) offsets(%dma_start3A_111 : memref<64xi32, #tpu.memory_space<vmem>>) semaphore(%arg9 : memref<!tpu.dma_semaphore, #tpu.memory_space<semaphore_mem>>)
      %dma_wait3A = arith.constant 0 : i32
      %dma_wait3A_115 = arith.constant 0 : i32
      %dma_wait3A_116 = tpu.memref_slice %arg7[%dma_wait3A, %dma_wait3A_115] : memref<1600x32xf32, #tpu.memory_space<vmem>> -> memref<128x32xf32, #tpu.memory_space<vmem>>
      %dma_wait3A_117 = arith.constant 0 : i32
      %dma_wait3A_118 = tpu.memref_slice %arg6[%dma_wait3A_117] : memref<1600xi32, #tpu.memory_space<vmem>> -> memref<128xi32, #tpu.memory_space<vmem>>
      %dma_wait3A_119 = arith.constant 0 : i32
      %dma_wait3A_120 = arith.constant 0 : i32
      %dma_wait3A_121 = tpu.memref_slice %arg3[%dma_wait3A_119, %dma_wait3A_120] : memref<1000000x32xf32, #tpu.memory_space<hbm>> -> memref<1000000x32xf32, #tpu.memory_space<hbm>>
      tpu.wait_indirect_dma semaphore(%arg9 : memref<!tpu.dma_semaphore, #tpu.memory_space<semaphore_mem>>) src(%dma_wait3A_121 : memref<1000000x32xf32, #tpu.memory_space<hbm>>) dst(%dma_wait3A_116 : memref<128x32xf32, #tpu.memory_space<vmem>>)
      %dma_wait3A_122 = arith.constant 128 : i32
      %dma_wait3A_123 = arith.constant 0 : i32
      %dma_wait3A_124 = tpu.memref_slice %arg7[%dma_wait3A_122, %dma_wait3A_123] : memref<1600x32xf32, #tpu.memory_space<vmem>> -> memref<128x32xf32, #tpu.memory_space<vmem>>
      %dma_wait3A_125 = arith.constant 128 : i32
      %dma_wait3A_126 = tpu.memref_slice %arg6[%dma_wait3A_125] : memref<1600xi32, #tpu.memory_space<vmem>> -> memref<128xi32, #tpu.memory_space<vmem>>
      %dma_wait3A_127 = arith.constant 0 : i32
      %dma_wait3A_128 = arith.constant 0 : i32
      %dma_wait3A_129 = tpu.memref_slice %arg3[%dma_wait3A_127, %dma_wait3A_128] : memref<1000000x32xf32, #tpu.memory_space<hbm>> -> memref<1000000x32xf32, #tpu.memory_space<hbm>>
      tpu.wait_indirect_dma semaphore(%arg9 : memref<!tpu.dma_semaphore, #tpu.memory_space<semaphore_mem>>) src(%dma_wait3A_129 : memref<1000000x32xf32, #tpu.memory_space<hbm>>) dst(%dma_wait3A_124 : memref<128x32xf32, #tpu.memory_space<vmem>>)
      %dma_wait3A_130 = arith.constant 256 : i32
      %dma_wait3A_131 = arith.constant 0 : i32
      %dma_wait3A_132 = tpu.memref_slice %arg7[%dma_wait3A_130, %dma_wait3A_131] : memref<1600x32xf32, #tpu.memory_space<vmem>> -> memref<128x32xf32, #tpu.memory_space<vmem>>
      %dma_wait3A_133 = arith.constant 256 : i32
      %dma_wait3A_134 = tpu.memref_slice %arg6[%dma_wait3A_133] : memref<1600xi32, #tpu.memory_space<vmem>> -> memref<128xi32, #tpu.memory_space<vmem>>
      %dma_wait3A_135 = arith.constant 0 : i32
      %dma_wait3A_136 = arith.constant 0 : i32
      %dma_wait3A_137 = tpu.memref_slice %arg3[%dma_wait3A_135, %dma_wait3A_136] : memref<1000000x32xf32, #tpu.memory_space<hbm>> -> memref<1000000x32xf32, #tpu.memory_space<hbm>>
      tpu.wait_indirect_dma semaphore(%arg9 : memref<!tpu.dma_semaphore, #tpu.memory_space<semaphore_mem>>) src(%dma_wait3A_137 : memref<1000000x32xf32, #tpu.memory_space<hbm>>) dst(%dma_wait3A_132 : memref<128x32xf32, #tpu.memory_space<vmem>>)
      %dma_wait3A_138 = arith.constant 384 : i32
      %dma_wait3A_139 = arith.constant 0 : i32
      %dma_wait3A_140 = tpu.memref_slice %arg7[%dma_wait3A_138, %dma_wait3A_139] : memref<1600x32xf32, #tpu.memory_space<vmem>> -> memref<128x32xf32, #tpu.memory_space<vmem>>
      %dma_wait3A_141 = arith.constant 384 : i32
      %dma_wait3A_142 = tpu.memref_slice %arg6[%dma_wait3A_141] : memref<1600xi32, #tpu.memory_space<vmem>> -> memref<128xi32, #tpu.memory_space<vmem>>
      %dma_wait3A_143 = arith.constant 0 : i32
      %dma_wait3A_144 = arith.constant 0 : i32
      %dma_wait3A_145 = tpu.memref_slice %arg3[%dma_wait3A_143, %dma_wait3A_144] : memref<1000000x32xf32, #tpu.memory_space<hbm>> -> memref<1000000x32xf32, #tpu.memory_space<hbm>>
      tpu.wait_indirect_dma semaphore(%arg9 : memref<!tpu.dma_semaphore, #tpu.memory_space<semaphore_mem>>) src(%dma_wait3A_145 : memref<1000000x32xf32, #tpu.memory_space<hbm>>) dst(%dma_wait3A_140 : memref<128x32xf32, #tpu.memory_space<vmem>>)
      %dma_wait3A_146 = arith.constant 512 : i32
      %dma_wait3A_147 = arith.constant 0 : i32
      %dma_wait3A_148 = tpu.memref_slice %arg7[%dma_wait3A_146, %dma_wait3A_147] : memref<1600x32xf32, #tpu.memory_space<vmem>> -> memref<128x32xf32, #tpu.memory_space<vmem>>
      %dma_wait3A_149 = arith.constant 512 : i32
      %dma_wait3A_150 = tpu.memref_slice %arg6[%dma_wait3A_149] : memref<1600xi32, #tpu.memory_space<vmem>> -> memref<128xi32, #tpu.memory_space<vmem>>
      %dma_wait3A_151 = arith.constant 0 : i32
      %dma_wait3A_152 = arith.constant 0 : i32
      %dma_wait3A_153 = tpu.memref_slice %arg3[%dma_wait3A_151, %dma_wait3A_152] : memref<1000000x32xf32, #tpu.memory_space<hbm>> -> memref<1000000x32xf32, #tpu.memory_space<hbm>>
      tpu.wait_indirect_dma semaphore(%arg9 : memref<!tpu.dma_semaphore, #tpu.memory_space<semaphore_mem>>) src(%dma_wait3A_153 : memref<1000000x32xf32, #tpu.memory_space<hbm>>) dst(%dma_wait3A_148 : memref<128x32xf32, #tpu.memory_space<vmem>>)
      %dma_wait3A_154 = arith.constant 640 : i32
      %dma_wait3A_155 = arith.constant 0 : i32
      %dma_wait3A_156 = tpu.memref_slice %arg7[%dma_wait3A_154, %dma_wait3A_155] : memref<1600x32xf32, #tpu.memory_space<vmem>> -> memref<128x32xf32, #tpu.memory_space<vmem>>
      %dma_wait3A_157 = arith.constant 640 : i32
      %dma_wait3A_158 = tpu.memref_slice %arg6[%dma_wait3A_157] : memref<1600xi32, #tpu.memory_space<vmem>> -> memref<128xi32, #tpu.memory_space<vmem>>
      %dma_wait3A_159 = arith.constant 0 : i32
      %dma_wait3A_160 = arith.constant 0 : i32
      %dma_wait3A_161 = tpu.memref_slice %arg3[%dma_wait3A_159, %dma_wait3A_160] : memref<1000000x32xf32, #tpu.memory_space<hbm>> -> memref<1000000x32xf32, #tpu.memory_space<hbm>>
      tpu.wait_indirect_dma semaphore(%arg9 : memref<!tpu.dma_semaphore, #tpu.memory_space<semaphore_mem>>) src(%dma_wait3A_161 : memref<1000000x32xf32, #tpu.memory_space<hbm>>) dst(%dma_wait3A_156 : memref<128x32xf32, #tpu.memory_space<vmem>>)
      %dma_wait3A_162 = arith.constant 768 : i32
      %dma_wait3A_163 = arith.constant 0 : i32
      %dma_wait3A_164 = tpu.memref_slice %arg7[%dma_wait3A_162, %dma_wait3A_163] : memref<1600x32xf32, #tpu.memory_space<vmem>> -> memref<128x32xf32, #tpu.memory_space<vmem>>
      %dma_wait3A_165 = arith.constant 768 : i32
      %dma_wait3A_166 = tpu.memref_slice %arg6[%dma_wait3A_165] : memref<1600xi32, #tpu.memory_space<vmem>> -> memref<128xi32, #tpu.memory_space<vmem>>
      %dma_wait3A_167 = arith.constant 0 : i32
      %dma_wait3A_168 = arith.constant 0 : i32
      %dma_wait3A_169 = tpu.memref_slice %arg3[%dma_wait3A_167, %dma_wait3A_168] : memref<1000000x32xf32, #tpu.memory_space<hbm>> -> memref<1000000x32xf32, #tpu.memory_space<hbm>>
      tpu.wait_indirect_dma semaphore(%arg9 : memref<!tpu.dma_semaphore, #tpu.memory_space<semaphore_mem>>) src(%dma_wait3A_169 : memref<1000000x32xf32, #tpu.memory_space<hbm>>) dst(%dma_wait3A_164 : memref<128x32xf32, #tpu.memory_space<vmem>>)
      %dma_wait3A_170 = arith.constant 896 : i32
      %dma_wait3A_171 = arith.constant 0 : i32
      %dma_wait3A_172 = tpu.memref_slice %arg7[%dma_wait3A_170, %dma_wait3A_171] : memref<1600x32xf32, #tpu.memory_space<vmem>> -> memref<128x32xf32, #tpu.memory_space<vmem>>
      %dma_wait3A_173 = arith.constant 896 : i32
      %dma_wait3A_174 = tpu.memref_slice %arg6[%dma_wait3A_173] : memref<1600xi32, #tpu.memory_space<vmem>> -> memref<128xi32, #tpu.memory_space<vmem>>
      %dma_wait3A_175 = arith.constant 0 : i32
      %dma_wait3A_176 = arith.constant 0 : i32
      %dma_wait3A_177 = tpu.memref_slice %arg3[%dma_wait3A_175, %dma_wait3A_176] : memref<1000000x32xf32, #tpu.memory_space<hbm>> -> memref<1000000x32xf32, #tpu.memory_space<hbm>>
      tpu.wait_indirect_dma semaphore(%arg9 : memref<!tpu.dma_semaphore, #tpu.memory_space<semaphore_mem>>) src(%dma_wait3A_177 : memref<1000000x32xf32, #tpu.memory_space<hbm>>) dst(%dma_wait3A_172 : memref<128x32xf32, #tpu.memory_space<vmem>>)
      %dma_wait3A_178 = arith.constant 1024 : i32
      %dma_wait3A_179 = arith.constant 0 : i32
      %dma_wait3A_180 = tpu.memref_slice %arg7[%dma_wait3A_178, %dma_wait3A_179] : memref<1600x32xf32, #tpu.memory_space<vmem>> -> memref<128x32xf32, #tpu.memory_space<vmem>>
      %dma_wait3A_181 = arith.constant 1024 : i32
      %dma_wait3A_182 = tpu.memref_slice %arg6[%dma_wait3A_181] : memref<1600xi32, #tpu.memory_space<vmem>> -> memref<128xi32, #tpu.memory_space<vmem>>
      %dma_wait3A_183 = arith.constant 0 : i32
      %dma_wait3A_184 = arith.constant 0 : i32
      %dma_wait3A_185 = tpu.memref_slice %arg3[%dma_wait3A_183, %dma_wait3A_184] : memref<1000000x32xf32, #tpu.memory_space<hbm>> -> memref<1000000x32xf32, #tpu.memory_space<hbm>>
      tpu.wait_indirect_dma semaphore(%arg9 : memref<!tpu.dma_semaphore, #tpu.memory_space<semaphore_mem>>) src(%dma_wait3A_185 : memref<1000000x32xf32, #tpu.memory_space<hbm>>) dst(%dma_wait3A_180 : memref<128x32xf32, #tpu.memory_space<vmem>>)
      %dma_wait3A_186 = arith.constant 1152 : i32
      %dma_wait3A_187 = arith.constant 0 : i32
      %dma_wait3A_188 = tpu.memref_slice %arg7[%dma_wait3A_186, %dma_wait3A_187] : memref<1600x32xf32, #tpu.memory_space<vmem>> -> memref<128x32xf32, #tpu.memory_space<vmem>>
      %dma_wait3A_189 = arith.constant 1152 : i32
      %dma_wait3A_190 = tpu.memref_slice %arg6[%dma_wait3A_189] : memref<1600xi32, #tpu.memory_space<vmem>> -> memref<128xi32, #tpu.memory_space<vmem>>
      %dma_wait3A_191 = arith.constant 0 : i32
      %dma_wait3A_192 = arith.constant 0 : i32
      %dma_wait3A_193 = tpu.memref_slice %arg3[%dma_wait3A_191, %dma_wait3A_192] : memref<1000000x32xf32, #tpu.memory_space<hbm>> -> memref<1000000x32xf32, #tpu.memory_space<hbm>>
      tpu.wait_indirect_dma semaphore(%arg9 : memref<!tpu.dma_semaphore, #tpu.memory_space<semaphore_mem>>) src(%dma_wait3A_193 : memref<1000000x32xf32, #tpu.memory_space<hbm>>) dst(%dma_wait3A_188 : memref<128x32xf32, #tpu.memory_space<vmem>>)
      %dma_wait3A_194 = arith.constant 1280 : i32
      %dma_wait3A_195 = arith.constant 0 : i32
      %dma_wait3A_196 = tpu.memref_slice %arg7[%dma_wait3A_194, %dma_wait3A_195] : memref<1600x32xf32, #tpu.memory_space<vmem>> -> memref<128x32xf32, #tpu.memory_space<vmem>>
      %dma_wait3A_197 = arith.constant 1280 : i32
      %dma_wait3A_198 = tpu.memref_slice %arg6[%dma_wait3A_197] : memref<1600xi32, #tpu.memory_space<vmem>> -> memref<128xi32, #tpu.memory_space<vmem>>
      %dma_wait3A_199 = arith.constant 0 : i32
      %dma_wait3A_200 = arith.constant 0 : i32
      %dma_wait3A_201 = tpu.memref_slice %arg3[%dma_wait3A_199, %dma_wait3A_200] : memref<1000000x32xf32, #tpu.memory_space<hbm>> -> memref<1000000x32xf32, #tpu.memory_space<hbm>>
      tpu.wait_indirect_dma semaphore(%arg9 : memref<!tpu.dma_semaphore, #tpu.memory_space<semaphore_mem>>) src(%dma_wait3A_201 : memref<1000000x32xf32, #tpu.memory_space<hbm>>) dst(%dma_wait3A_196 : memref<128x32xf32, #tpu.memory_space<vmem>>)
      %dma_wait3A_202 = arith.constant 1408 : i32
      %dma_wait3A_203 = arith.constant 0 : i32
      %dma_wait3A_204 = tpu.memref_slice %arg7[%dma_wait3A_202, %dma_wait3A_203] : memref<1600x32xf32, #tpu.memory_space<vmem>> -> memref<128x32xf32, #tpu.memory_space<vmem>>
      %dma_wait3A_205 = arith.constant 1408 : i32
      %dma_wait3A_206 = tpu.memref_slice %arg6[%dma_wait3A_205] : memref<1600xi32, #tpu.memory_space<vmem>> -> memref<128xi32, #tpu.memory_space<vmem>>
      %dma_wait3A_207 = arith.constant 0 : i32
      %dma_wait3A_208 = arith.constant 0 : i32
      %dma_wait3A_209 = tpu.memref_slice %arg3[%dma_wait3A_207, %dma_wait3A_208] : memref<1000000x32xf32, #tpu.memory_space<hbm>> -> memref<1000000x32xf32, #tpu.memory_space<hbm>>
      tpu.wait_indirect_dma semaphore(%arg9 : memref<!tpu.dma_semaphore, #tpu.memory_space<semaphore_mem>>) src(%dma_wait3A_209 : memref<1000000x32xf32, #tpu.memory_space<hbm>>) dst(%dma_wait3A_204 : memref<128x32xf32, #tpu.memory_space<vmem>>)
      %dma_wait3A_210 = arith.constant 1536 : i32
      %dma_wait3A_211 = arith.constant 0 : i32
      %dma_wait3A_212 = tpu.memref_slice %arg7[%dma_wait3A_210, %dma_wait3A_211] : memref<1600x32xf32, #tpu.memory_space<vmem>> -> memref<64x32xf32, #tpu.memory_space<vmem>>
      %dma_wait3A_213 = arith.constant 1536 : i32
      %dma_wait3A_214 = tpu.memref_slice %arg6[%dma_wait3A_213] : memref<1600xi32, #tpu.memory_space<vmem>> -> memref<64xi32, #tpu.memory_space<vmem>>
      %dma_wait3A_215 = arith.constant 0 : i32
      %dma_wait3A_216 = arith.constant 0 : i32
      %dma_wait3A_217 = tpu.memref_slice %arg3[%dma_wait3A_215, %dma_wait3A_216] : memref<1000000x32xf32, #tpu.memory_space<hbm>> -> memref<1000000x32xf32, #tpu.memory_space<hbm>>
      tpu.wait_indirect_dma semaphore(%arg9 : memref<!tpu.dma_semaphore, #tpu.memory_space<semaphore_mem>>) src(%dma_wait3A_217 : memref<1000000x32xf32, #tpu.memory_space<hbm>>) dst(%dma_wait3A_212 : memref<64x32xf32, #tpu.memory_space<vmem>>)
      %scan3A_218 = arith.constant 0 : i32
      %scan3A_219 = arith.constant 0 : i32
      %scan3A_220 = arith.constant 8 : i32
      %scan3A_221 = arith.addi %scan3A_219, %scan3A_220 : i32
      %scan3A_222 = arith.constant 1 : i32
      scf.for %scan3A_224 = %scan3A_219 to %scan3A_221 step %scan3A_222  : i32 {
        %scan3A_225 = arith.constant 0 : i32
        %scan3A_226 = arith.constant 200 : i32
        %scan3A_227 = arith.addi %scan3A_225, %scan3A_226 : i32
        %scan3A_228 = arith.constant 1 : i32
        scf.for %scan3A_230 = %scan3A_225 to %scan3A_227 step %scan3A_228  : i32 {
          %mul3A_231 = arith.constant 200 : i32
          %mul3A_232 = arith.muli %scan3A_224, %mul3A_231 : i32
          %add3A_233 = arith.addi %mul3A_232, %scan3A_230 : i32
          %get3A = arith.index_cast %add3A_233 : i32 to index
          %get3A_234 = arith.constant 0 : index
          %get3A_235 = tpu.vector_load %arg7[%get3A, %get3A_234] {strides = array<i32>} : memref<1600x32xf32, #tpu.memory_space<vmem>>, vector<1x16xf32>,
          %get3A_236 = vector.shape_cast %get3A_235 : vector<1x16xf32> to vector<16xf32>
          %get3A_237 = arith.index_cast %scan3A_230 : i32 to index
          %get3A_238 = arith.constant 0 : index
          %get3A_239 = tpu.vector_load %arg8[%get3A_237, %get3A_238] {strides = array<i32>} : memref<200x32xf32, #tpu.memory_space<vmem>>, vector<1x16xf32>,
          %get3A_240 = vector.shape_cast %get3A_239 : vector<1x16xf32> to vector<16xf32>
          %add3A_241 = arith.addf %get3A_236, %get3A_240 : vector<16xf32>
          %swap3A = arith.index_cast %add3A_233 : i32 to index
          %swap3A_242 = arith.constant 0 : index
          %swap3A_243 = tpu.vector_load %arg7[%swap3A, %swap3A_242] {strides = array<i32>} : memref<1600x32xf32, #tpu.memory_space<vmem>>, vector<1x16xf32>,
          %swap3A_244 = vector.shape_cast %swap3A_243 : vector<1x16xf32> to vector<16xf32>
          %swap3A_245 = vector.shape_cast %add3A_241 : vector<16xf32> to vector<1x16xf32>
          tpu.vector_store %arg7[%swap3A, %swap3A_242], %swap3A_245 {strides = array<i32>} : memref<1600x32xf32, #tpu.memory_space<vmem>>, vector<1x16xf32>,
          %get3A_246 = arith.index_cast %add3A_233 : i32 to index
          %get3A_247 = arith.constant 16 : index
          %get3A_248 = tpu.vector_load %arg7[%get3A_246, %get3A_247] {strides = array<i32>} : memref<1600x32xf32, #tpu.memory_space<vmem>>, vector<1x16xf32>,
          %get3A_249 = vector.shape_cast %get3A_248 : vector<1x16xf32> to vector<16xf32>
          %get3A_250 = arith.index_cast %scan3A_230 : i32 to index
          %get3A_251 = arith.constant 16 : index
          %get3A_252 = tpu.vector_load %arg8[%get3A_250, %get3A_251] {strides = array<i32>} : memref<200x32xf32, #tpu.memory_space<vmem>>, vector<1x16xf32>,
          %get3A_253 = vector.shape_cast %get3A_252 : vector<1x16xf32> to vector<16xf32>
          %add3A_254 = arith.addf %get3A_249, %get3A_253 : vector<16xf32>
          %swap3A_255 = arith.index_cast %add3A_233 : i32 to index
          %swap3A_256 = arith.constant 16 : index
          %swap3A_257 = tpu.vector_load %arg7[%swap3A_255, %swap3A_256] {strides = array<i32>} : memref<1600x32xf32, #tpu.memory_space<vmem>>, vector<1x16xf32>,
          %swap3A_258 = vector.shape_cast %swap3A_257 : vector<1x16xf32> to vector<16xf32>
          %swap3A_259 = vector.shape_cast %add3A_254 : vector<16xf32> to vector<1x16xf32>
          tpu.vector_store %arg7[%swap3A_255, %swap3A_256], %swap3A_259 {strides = array<i32>} : memref<1600x32xf32, #tpu.memory_space<vmem>>, vector<1x16xf32>,
        }
        %scan3A_229 = arith.constant 200 : i32
      }
      %scan3A_223 = arith.constant 8 : i32
      "tpu.region"() ({
        %run_scoped3A = tpu.sem_alloc : memref<!tpu.dma_semaphore, #tpu.memory_space<semaphore_mem>>
        %dma_start3A_224 = arith.constant 0 : i32
        %dma_start3A_225 = tpu.memref_slice %arg5[%add3A_11, %dma_start3A_224] : memref<819200x32xf32, #tpu.memory_space<hbm>> -> memref<1600x32xf32, #tpu.memory_space<hbm>>
        %dma_start3A_226 = arith.constant 0 : i32
        %dma_start3A_227 = tpu.memref_slice %arg5[%add3A_11, %dma_start3A_226] : memref<819200x32xf32, #tpu.memory_space<hbm>> -> memref<1600x32xf32, #tpu.memory_space<hbm>>
        tpu.enqueue_dma source(%arg7 : memref<1600x32xf32, #tpu.memory_space<vmem>>) target(%dma_start3A_227 : memref<1600x32xf32, #tpu.memory_space<hbm>>) target_semaphore(%run_scoped3A : memref<!tpu.dma_semaphore, #tpu.memory_space<semaphore_mem>>)
        %dma_wait3A_228 = arith.constant 0 : i32
        %dma_wait3A_229 = tpu.memref_slice %arg5[%add3A_11, %dma_wait3A_228] : memref<819200x32xf32, #tpu.memory_space<hbm>> -> memref<1600x32xf32, #tpu.memory_space<hbm>>
        %dma_wait3A_230 = arith.constant 0 : i32
        %dma_wait3A_231 = tpu.memref_slice %arg5[%add3A_11, %dma_wait3A_230] : memref<819200x32xf32, #tpu.memory_space<hbm>> -> memref<1600x32xf32, #tpu.memory_space<hbm>>
        tpu.wait_dma2 semaphore(%run_scoped3A : memref<!tpu.dma_semaphore, #tpu.memory_space<semaphore_mem>>) src(%arg7 : memref<1600x32xf32, #tpu.memory_space<vmem>>) dst(%dma_wait3A_231 : memref<1600x32xf32, #tpu.memory_space<hbm>>)
        tpu.yield
      }) : () -> ()
    }
    %scan3A_7 = arith.constant 16 : i32
    return
  }
}

</mosaic_0001>

<sc_bundles>
// kernel: _embed.3.cloned.1.call-start
scs
__scs_entry_jumppad:
0x0: {  	(pc) =	sbr.rel $0x88, $3  }
0x1: {  	(tag) =	ssettag $0x0;
	lr =	simm.s32 $0x1  }
0x2: {  	[smem:$0x3F9E] =	sst lr;
	_ =	strace $0xD0000000  }
0x3: {  	_ = 	snop  }
0x4: {  	_ = 	snop  }
0x5: {  	_ = 	snop  }
0x6: {  	_ = 	snop  }
0x7: {  	_ = 	snop  }
__scs_overlays_trampoline_lowered:
0x8: {  	[smem:$0x3FAD] =	sst s0  }
0x9: {  	[smem:$0x3FAE] =	sst s1  }
0xa: {  	[smem:$0x3FAF] =	sst s2  }
0xb: {  	[smem:$0x3FB0] =	sst s3  }
0xc: {  	[smem:$0x3FB1] =	sst s4  }
0xd: {  	[smem:$0x3FB2] =	sst s5  }
0xe: {  	[smem:$0x3FB3] =	sst s6  }
0xf: {  	[smem:$0x3FB4] =	sst s7  }
0x10: {  	[smem:$0x3FB5] =	sst s8  }
0x11: {  	[smem:$0x3FB6] =	sst s9;
	s0 =	simm.s32 @!p0 $0x0  }
0x12: {  	s1 =	sld [smem:$0x3F9C];
	s0 =	simm.s32 @p0 $0x1  }
0x13: {  	[smem:$0x3FB7] =	sst s0;
	s0 =	simm.s32 @!p1 $0x0  }
0x14: {  	s2 =	sld [smem:$0x3F9B];
	s0 =	simm.s32 @p1 $0x1  }
0x15: {  	[smem:$0x3FB8] =	sst s0;
	s0 =	simm.s32 @!p2 $0x0  }
0x16: {  	s3 =	sld [smem:$0x3FDB];
	s0 =	simm.s32 @p2 $0x1  }
0x17: {  	s4 =	simm.s32 $0x1BF5;
	[smem:$0x3FBA] =	sst s0  }
0x18: {  	s0 =	sld [smem:$0x3F9D];
	_ =	swait.ge [sflag:s4], $0x0  }
0x19: {  	s7 =	sld [smem:$0x3F9E]  }
0x1a: {  	s8 =	sadd.s32 $0xFFFFE003, lr  }
0x1b: {  	s9 =	sadd.s32 $0xFFFFFEF7, lr;
	s5 =	simm.s32 $0xFFFFFFFF;
	p2 =	slt.u32 s8, $0xFFFFF086  }
0x1c: {  	p1 =	slt.u32 s9, $0xF7A;
	s5 =	simm.s32 @!p2 $0x0  }
0x1d: {  	s5 =	simm.s32 @p1 $0x1;
	p0 =	seq.s32 s7, s2  }
0x1e: {  	s7 =	smul.u32 @!p0 $0xF7A, s2;
	p2 =	seq.s32 @!p0 s5, $0x0  }
0x1f: {  	s9 =	smul.u32 $0xF7A, s1;
	s8 =	simm.s32 @!p0 $0x1BF5;
	p2 =	por !p2, p0  }
0x20: {  	[sflag:s8] =	ssyncset.s32 @!p0 $0xFFFFF086;
	s6 =	sadd.s32 @!p0 s3, s7;
	s7 =	simm.s32 @!p0 $0x108  }
0x21: {  	s3 =	sadd.s32 s3, s9;
	s6 =	sadd.s32 @!p0 $0x88, s6;
	s7 =	simm.s32 @p2 $0x1082  }
0x22: {  	[simem:s7], [sflag:s8] =	dma.local @!p0 [hbm:s6], $0xF7A  }
0x23: {  	s9 =	sor.u32 $0xD0000000, s2;
	s6 =	simm.s32 $0x108;
	_ =	swait.ge @!p0 [sflag:s8], $0x0  }
0x24: {  	s3 =	sadd.s32 $0x88, s3;
	s6 =	simm.s32 @!p1 $0x1082;
	[sflag:s4] =	ssyncset.s32 $0xFFFFF086  }
0x25: {  	[simem:s6], [sflag:s4] =	dma.local [hbm:s3], $0xF7A  }
0x26: {  	[smem:$0x3F9E] =	sst s1;
	(tag) =	ssettag s2;
	_ =	strace s9  }
0x27: {  	s1 =	sld [smem:$0x3FAE]  }
0x28: {  	s2 =	sld [smem:$0x3FAF]  }
0x29: {  	s4 =	sld [smem:$0x3FB1]  }
0x2a: {  	p0 =	seq.s32 s5, $0x0;
	s5 =	sld [smem:$0x3FB2]  }
0x2b: {  	s6 =	sld [smem:$0x3FB3]  }
0x2c: {  	s7 =	sld [smem:$0x3FB4]  }
0x2d: {  	s3 =	simm.s32 $0x108;
	s8 =	sld [smem:$0x3FB5]  }
0x2e: {  	s3 =	simm.s32 @!p0 $0x1082;
	s9 =	sld [smem:$0x3FB6]  }
0x2f: {  	lr =	sadd.s32 s0, s3;
	s0 =	sld [smem:$0x3FAD]  }
0x30: {  	s3 =	sld [smem:$0x3FB0]  }
0x31: {  	[smem:$0x3FB9] =	sst s10  }
0x32: {  	s10 =	sld [smem:$0x3FB7];
	_ =	sdelay $0x3  }
0x33: {  	p0 =	seq.s32 s10, $0x1;
	s10 =	sld [smem:$0x3FB9];
	_ =	sdelay $0x3  }
0x34: {  	[smem:$0x3FB9] =	sst s10  }
0x35: {  	s10 =	sld [smem:$0x3FB8];
	_ =	sdelay $0x3  }
0x36: {  	p1 =	seq.s32 s10, $0x1;
	s10 =	sld [smem:$0x3FB9];
	_ =	sdelay $0x3  }
0x37: {  	[smem:$0x3FB9] =	sst s10  }
0x38: {  	s10 =	sld [smem:$0x3FBA]  }
0x39: {  	_ = 	snop;
	(pc) =	sbr.ind lr, $3  }
0x3a: {  	_ = 	snop  }
0x3b: {  	_ = 	snop  }
0x3c: {  	p2 =	seq.s32 s10, $0x1;
	s10 =	sld [smem:$0x3FB9]  }
0x3d: {  	_ =	shalt  }
0x3e: {  	_ =	shalt  }
0x3f: {  	_ =	shalt  }
0x40: {  	_ =	shalt  }
0x41: {  	_ =	shalt  }
0x42: {  	_ =	shalt  }
0x43: {  	_ =	shalt  }
0x44: {  	_ =	shalt  }
0x45: {  	_ =	shalt  }
0x46: {  	_ =	shalt  }
0x47: {  	_ =	shalt  }
0x48: {  	_ =	shalt  }
0x49: {  	_ =	shalt  }
0x4a: {  	_ =	shalt  }
0x4b: {  	_ =	shalt  }
0x4c: {  	_ =	shalt  }
0x4d: {  	_ =	shalt  }
0x4e: {  	_ =	shalt  }
0x4f: {  	_ =	shalt  }
0x50: {  	_ =	shalt  }
0x51: {  	_ =	shalt  }
0x52: {  	_ =	shalt  }
0x53: {  	_ =	shalt  }
0x54: {  	_ =	shalt  }
0x55: {  	_ =	shalt  }
0x56: {  	_ =	shalt  }
0x57: {  	_ =	shalt  }
0x58: {  	_ =	shalt  }
0x59: {  	_ =	shalt  }
0x5a: {  	_ =	shalt  }
0x5b: {  	_ =	shalt  }
0x5c: {  	_ =	shalt  }
0x5d: {  	_ =	shalt  }
0x5e: {  	_ =	shalt  }
0x5f: {  	_ =	shalt  }
0x60: {  	_ =	shalt  }
0x61: {  	_ =	shalt  }
0x62: {  	_ =	shalt  }
0x63: {  	_ =	shalt  }
0x64: {  	_ =	shalt  }
0x65: {  	_ =	shalt  }
0x66: {  	_ =	shalt  }
0x67: {  	_ =	shalt  }
0x68: {  	_ =	shalt  }
0x69: {  	_ =	shalt  }
0x6a: {  	_ =	shalt  }
0x6b: {  	_ =	shalt  }
0x6c: {  	_ =	shalt  }
0x6d: {  	_ =	shalt  }
0x6e: {  	_ =	shalt  }
0x6f: {  	_ =	shalt  }
0x70: {  	_ =	shalt  }
0x71: {  	_ =	shalt  }
0x72: {  	_ =	shalt  }
0x73: {  	_ =	shalt  }
0x74: {  	_ =	shalt  }
0x75: {  	_ =	shalt  }
0x76: {  	_ =	shalt  }
0x77: {  	_ =	shalt  }
0x78: {  	_ =	shalt  }
0x79: {  	_ =	shalt  }
0x7a: {  	_ =	shalt  }
0x7b: {  	_ =	shalt  }
0x7c: {  	_ =	shalt  }
0x7d: {  	_ =	shalt  }
0x7e: {  	_ =	shalt  }
0x7f: {  	_ =	shalt  }
0x80: {  	_ =	shalt  }
0x81: {  	_ =	shalt  }
0x82: {  	_ =	shalt  }
0x83: {  	_ =	shalt  }
0x84: {  	_ =	shalt  }
0x85: {  	_ =	shalt  }
0x86: {  	_ =	shalt  }
0x87: {  	_ =	shalt  }
.Lfunc_end0:
.L_simem_size_0:
called_computation.1_lowered:
.L_overlay_start_0:
0x88: {  	s2 =	sld [smem:$0x3FD9]  }
0x89: {  	s3 =	sld [smem:$0x3FFE];
	_ =	sdelay $0x1  }
0x8a: {  	s1 =	srdreg.scid  }
0x8b: {  	s0 =	sand.u32 $0x1, s1  }
0x8c: {  	s17 =	sshll.u32 s0, $0xA;
	s2 =	sadd.s32 s3, s2  }
0x8d: {  	s2 =	sadd.s32 s2, s17  }
0x8e: {  	[smem:$0x3FC5] =	sst s2  }
0x8f: {  	_ = 	snop  }
0x90: {  	s2 =	sld [smem:$0x3FC9]  }
0x91: {  	s18 =	sld [smem:$0x3FD0];
	(tm) =	ssettm $0x1  }
0x92: {  	s4 =	sld [smem:$0x3FFB];
	_ =	sdelay $0x3  }
0x93: {  	_ =	strace s4  }
0x94: {  	s4 =	sld [smem:$0x3FFC];
	_ =	sdelay $0x3  }
0x95: {  	_ =	strace s4  }
0x96: {  	s4 =	sld [smem:$0x3FFD];
	_ =	sdelay $0x3  }
0x97: {  	_ =	strace s4  }
0x98: {  	_ =	strace $0x8FFFFFFF  }
0x99: {  	s19 =	sld [smem:$0x3FDB];
	_ =	sdelay $0x1  }
0x9a: {  	s5 =	simm.s32 $_scs_section_size  }
0x9b: {  	s6 =	simm.s32 $_size__tile_overlayer_lowered;
	s7 =	simm.s32 $_tile_overlayer_lowered  }
0x9c: {  	s22 =	simm.s32 $0x1BFF;
	s21 =	sshll.u32 s7, $0x1;
	s4 =	sadd.s32 s5, s19  }
0x9d: {  	s8 =	simm.s32 $0x0;
	s20 =	sshll.u32 s6, $0x1;
	s6 =	sadd.s32 s21, s4  }
0x9e: {  	[timem:s8], [sflag:s22] =	dma.local [hbm:s6], s20  }
0x9f: {  	_ =	swait.ge [sflag:s22], s20  }
0xa0: {  	s5 =	ssub.s32 $0x0, s20;
	[sflag:s22] =	ssyncset.done $0x0  }
0xa1: {  	[sflag:s22] =	ssyncadd.s32 s5;
	_ =	sdelay $0x1  }
0xa2: {  	s23 =	simm.s32 $0x1B8B  }
0xa3: {  	_ =	swait.ge [sflag:s23], $0x1  }
0xa4: {  	[sflag:s23] =	ssyncset.done $0x0  }
0xa5: {  	s25 =	simm.s32 $0x1B8E;
	s24 =	sld [smem:$0x3FFE];
	[sflag:s23] =	ssyncadd.s32 $0xFFFFFFFF  }
0xa6: {  	s26 =	simm.s32 $execute0_lowered;
	[smem:$0x3FD2] =	sst s25  }
0xa7: {  	s6 =	sshll.u32 s26, $0x1;
	_ =	strace $0x80000046;
	[dreg:$0x1] =	wrdreg $0xFFFFFFFF  }
0xa8: {  	s28 =	simm.s32 $_size_execute0_lowered;
	s4 =	sadd.s32 s4, s6;
	[dreg:$0x0] =	wrdreg $0x0  }
0xa9: {  	s6 =	sshll.u32 s28, $0x1;
	[dreg:$0x2] =	wrdreg s4  }
0xaa: {  	[dreg:$0x3] =	wrdreg s6  }
0xab: {  	[dreg:$0x4] =	wrdreg $0xC0  }
0xac: {  	_ =	task [dreg:s8], $0x5FFFF  }
0xad: {  	[dreg:$0x1] =	wrdreg $0xFFFFFFFF  }
0xae: {  	[dreg:$0x0] =	wrdreg $0x60  }
0xaf: {  	[dreg:$0x2] =	wrdreg s2  }
0xb0: {  	[dreg:$0x3] =	wrdreg s24  }
0xb1: {  	[dreg:$0x4] =	wrdreg s18  }
0xb2: {  	[dreg:$0x5] =	wrdreg $0x9  }
0xb3: {  	_ =	task.clear_ibuf [dreg:s8], $0x6FFFF;
	_ =	strace $0x90000046  }
0xb4: {  	s29 =	simm.s32 $0x9;
	_ =	strace $0x80000048  }
0xb5: {  	_ =	swait.ge [sflag:s29], $0x1  }
0xb6: {  	[sflag:s29] =	ssyncadd.s32 $0xFFFFFFFF  }
0xb7: {  	_ =	strace $0x90000048  }
0xb8: {  	_ =	sfence  }
0xb9: {  	s30 =	sld [smem:$0x0];
	_ =	sdelay $0x2  }
0xba: {  	s31 =	sshll.u32 s1, $0xD;
	s1 =	sshrl.u32 s1, $0x2  }
0xbb: {  	s3 =	sand.u32 $0x4000, s31;
	s1 =	sadd.s32 s1, s30  }
0xbc: {  	s0 =	sor.u32 s3, s0;
	s1 =	sshll.u32 s1, $0x11  }
0xbd: {  	s0 =	sor.u32 s1, s0  }
0xbe: {  	s0 =	sadd.s32 $0x8F2B, s0  }
0xbf: {  	[sflag:s0] =	ssyncadd.remote.s32 $0x1  }
0xc0: {  	_ =	sfence.sel $0xFFFF  }
0xc1: {  	[dreg:$0x0] =	wrdreg $0xFFFFFFFF;
	(pc) =	sbr.abs _section_cstart, $3  }
0xc2: {  	[dreg:$0x1] =	wrdreg $0xFFFFFFFF  }
0xc3: {  	_ =	task.clear_ibuf [dreg:s8], $0x2FFFF;
	_ =	strace $0x9FFFFFFF  }
0xc4: {  	(tm) =	ssettm $0x7FFFFFFF  }
0xc5: {  	_ =	shalt  }
tec
execute0_lowered:
.L_overlay_start_1:
0x0: {  	(tag) =	ssettag $0x1  }
0x1: {  	s0 =	rddreg [dreg:$0x1];
	s1 =	srdreg.scid;
	s2 =	simm.s32 $0x0  }
0x2: {  	s4 =	stileid.u32;
	s10 =	simm.s32 $0x2;
	s11 =	simm.s32 $0x80  }
0x3: {  	s12 =	simm.s32 $0x640;
	s18 =	simm.s32 $0x200;
	s19 =	simm.s32 $0x4640  }
0x4: {  	s20 =	simm.s32 $0x280;
	s21 =	simm.s32 $0x5640;
	s22 =	simm.s32 $0x300  }
0x5: {  	s23 =	simm.s32 $0x6640;
	s24 =	simm.s32 $0x380;
	s28 =	simm.s32 $0x8640  }
0x6: {  	s29 =	simm.s32 $0x480;
	s30 =	simm.s32 $0x9640;
	s31 =	simm.s32 $0x500  }
0x7: {  	s9 =	simm.s32 $0xB640;
	s6 =	simm.s32 $0x40;
	s8 =	simm.s32 $0x600  }
0x8: {  	s13 =	simm.s32 $0x0;
	s1 =	sand.u32 $0x1, s1;
	[smem:$0x7FF] =	sst s2  }
0x9: {  	s4 =	sshll.u32 s4, $0x1;
	s5 =	sadd.s32 $0xF42E00, s0;
	s0 =	sadd.s32 $0xA00, s0  }
0xa: {  	s25 =	ssub.s32 $0x2, s1;
	_ =	strace $0x80000047;
	s1 =	sor.u32 s1, s4  }
0xb: {  	[dreg:$0x4] =	wrdreg s0;
	s0 =	simm.s32 $0xA640;
	s3 =	sshrl.u32 s25, $0x1  }
0xc: {  	s7 =	smul.u32 $0x6400, s1;
	s1 =	simm.s32 $0xC640;
	s2 =	ssub.s32 s25, s3  }
0xd: {  	s25 =	simm.s32 $0x7640;
	s3 =	simm.s32 $0x580;
	s26 =	smax.u32 s2, $0x1  }
0xe: {  	s2 =	simm.s32 $0x1;
	[dreg:$0x5] =	wrdreg s26;
	s26 =	simm.s32 $0x400  }
.LBB2_1:
0xf: {  	[dreg:$0x6] =	wrdreg s13  }
0x10: {  	s4 =	simm.s32 $0x0;
	s17 =	rddreg [dreg:$0x4];
	s14 =	simm.s32 $0xCE40  }
0x11: {  	[tilespmem:s14], [sflag:$0x2] =	stream.linear.gather [hbm4b:s17+s4], $0x1900, $0x38;
	[tilespmem:$0xE740] =	vst v63  }
0x12: {  	_ =	swait.ge [sflag:s10], $0x1900  }
0x13: {  	[sflag:s10] =	ssyncset.done $0x0  }
0x14: {  	s4 =	simm.s32 $0x0;
	[sflag:s10] =	ssyncadd.s32 $0xFFFFE700  }
.LBB2_2:
0x15: {  	s13 =	smul.u32 $0x640, s4;
	_ =	sdelay $0x1  }
0x16: {  	s13 =	sadd.s32 s7, s13  }
0x17: {  	s15 =	rddreg [dreg:$0x0];
	s14 =	sshrl.u32 s13, $0x3  }
0x18: {  	s17 =	simm.s32 $0x0;
	s14 =	sadd.s32 s15, s14  }
0x19: {  	[tilespmem:s17], [sflag:$0x2] =	stream.linear.gather [hbm4b:s14+s17], $0x640, $0x38;
	[tilespmem:$0xE740] =	vst v63  }
0x1a: {  	_ =	swait.ge [sflag:s10], $0x640  }
0x1b: {  	[sflag:s10] =	ssyncset.done $0x0  }
0x1c: {  	[sflag:s10] =	ssyncadd.s32 $0xFFFFF9C0  }
0x1d: {  	[tilespmem:s12], [sflag:$0x1] =	stream.indirect.gather [hbm4b:s5+s11], $0x20, s17, s11, $0xb8;
	[tilespmem:$0xE740] =	vst v63  }
0x1e: {  	s15 =	simm.s32 $0x1640  }
0x1f: {  	[tilespmem:s15], [sflag:$0x1] =	stream.indirect.gather [hbm4b:s5+s11], $0x20, s11, s11, $0xb8;
	[tilespmem:$0xE740] =	vst v63  }
0x20: {  	s16 =	simm.s32 $0x100;
	s17 =	simm.s32 $0x2640  }
0x21: {  	[tilespmem:s17], [sflag:$0x1] =	stream.indirect.gather [hbm4b:s5+s11], $0x20, s16, s11, $0xb8;
	[tilespmem:$0xE740] =	vst v63  }
0x22: {  	s16 =	simm.s32 $0x180;
	s17 =	simm.s32 $0x3640  }
0x23: {  	[tilespmem:s17], [sflag:$0x1] =	stream.indirect.gather [hbm4b:s5+s11], $0x20, s16, s11, $0xb8;
	[tilespmem:$0xE740] =	vst v63  }
0x24: {  	_ = 	snop  }
0x25: {  	[tilespmem:s19], [sflag:$0x1] =	stream.indirect.gather [hbm4b:s5+s11], $0x20, s18, s11, $0xb8;
	[tilespmem:$0xE740] =	vst v63  }
0x26: {  	_ = 	snop  }
0x27: {  	[tilespmem:s21], [sflag:$0x1] =	stream.indirect.gather [hbm4b:s5+s11], $0x20, s20, s11, $0xb8;
	[tilespmem:$0xE740] =	vst v63  }
0x28: {  	_ = 	snop  }
0x29: {  	[tilespmem:s23], [sflag:$0x1] =	stream.indirect.gather [hbm4b:s5+s11], $0x20, s22, s11, $0xb8;
	[tilespmem:$0xE740] =	vst v63  }
0x2a: {  	_ = 	snop  }
0x2b: {  	[tilespmem:s25], [sflag:$0x1] =	stream.indirect.gather [hbm4b:s5+s11], $0x20, s24, s11, $0xb8;
	[tilespmem:$0xE740] =	vst v63  }
0x2c: {  	_ = 	snop  }
0x2d: {  	[tilespmem:s28], [sflag:$0x1] =	stream.indirect.gather [hbm4b:s5+s11], $0x20, s26, s11, $0xb8;
	[tilespmem:$0xE740] =	vst v63  }
0x2e: {  	_ = 	snop  }
0x2f: {  	[tilespmem:s30], [sflag:$0x1] =	stream.indirect.gather [hbm4b:s5+s11], $0x20, s29, s11, $0xb8;
	[tilespmem:$0xE740] =	vst v63  }
0x30: {  	_ = 	snop  }
0x31: {  	[tilespmem:s0], [sflag:$0x1] =	stream.indirect.gather [hbm4b:s5+s11], $0x20, s31, s11, $0xb8;
	[tilespmem:$0xE740] =	vst v63  }
0x32: {  	_ = 	snop  }
0x33: {  	[tilespmem:s9], [sflag:$0x1] =	stream.indirect.gather [hbm4b:s5+s11], $0x20, s3, s11, $0xb8;
	[tilespmem:$0xE740] =	vst v63  }
0x34: {  	_ = 	snop  }
0x35: {  	[tilespmem:s1], [sflag:$0x1] =	stream.indirect.gather [hbm4b:s5+s6], $0x20, s8, s6, $0xb8;
	[tilespmem:$0xE740] =	vst v63  }
0x36: {  	_ =	swait.ge [sflag:s2], $0x1000  }
0x37: {  	[sflag:s2] =	ssyncset.done $0x0  }
0x38: {  	[sflag:s2] =	ssyncadd.s32 $0xFFFFF000  }
0x39: {  	_ =	swait.ge [sflag:s2], $0x1000  }
0x3a: {  	[sflag:s2] =	ssyncset.done $0x0  }
0x3b: {  	[sflag:s2] =	ssyncadd.s32 $0xFFFFF000  }
0x3c: {  	_ =	swait.ge [sflag:s2], $0x1000  }
0x3d: {  	[sflag:s2] =	ssyncset.done $0x0  }
0x3e: {  	[sflag:s2] =	ssyncadd.s32 $0xFFFFF000  }
0x3f: {  	_ =	swait.ge [sflag:s2], $0x1000  }
0x40: {  	[sflag:s2] =	ssyncset.done $0x0  }
0x41: {  	[sflag:s2] =	ssyncadd.s32 $0xFFFFF000  }
0x42: {  	_ =	swait.ge [sflag:s2], $0x1000  }
0x43: {  	[sflag:s2] =	ssyncset.done $0x0  }
0x44: {  	[sflag:s2] =	ssyncadd.s32 $0xFFFFF000  }
0x45: {  	_ =	swait.ge [sflag:s2], $0x1000  }
0x46: {  	[sflag:s2] =	ssyncset.done $0x0  }
0x47: {  	[sflag:s2] =	ssyncadd.s32 $0xFFFFF000  }
0x48: {  	_ =	swait.ge [sflag:s2], $0x1000  }
0x49: {  	[sflag:s2] =	ssyncset.done $0x0  }
0x4a: {  	[sflag:s2] =	ssyncadd.s32 $0xFFFFF000  }
0x4b: {  	_ =	swait.ge [sflag:s2], $0x1000  }
0x4c: {  	[sflag:s2] =	ssyncset.done $0x0  }
0x4d: {  	[sflag:s2] =	ssyncadd.s32 $0xFFFFF000  }
0x4e: {  	_ =	swait.ge [sflag:s2], $0x1000  }
0x4f: {  	[sflag:s2] =	ssyncset.done $0x0  }
0x50: {  	[sflag:s2] =	ssyncadd.s32 $0xFFFFF000  }
0x51: {  	_ =	swait.ge [sflag:s2], $0x1000  }
0x52: {  	[sflag:s2] =	ssyncset.done $0x0  }
0x53: {  	[sflag:s2] =	ssyncadd.s32 $0xFFFFF000  }
0x54: {  	_ =	swait.ge [sflag:s2], $0x1000  }
0x55: {  	[sflag:s2] =	ssyncset.done $0x0  }
0x56: {  	[sflag:s2] =	ssyncadd.s32 $0xFFFFF000  }
0x57: {  	_ =	swait.ge [sflag:s2], $0x1000  }
0x58: {  	[sflag:s2] =	ssyncset.done $0x0  }
0x59: {  	[sflag:s2] =	ssyncadd.s32 $0xFFFFF000  }
0x5a: {  	_ =	swait.ge [sflag:s2], $0x800  }
0x5b: {  	[sflag:s2] =	ssyncset.done $0x0  }
0x5c: {  	s14 =	simm.s32 $0x0;
	[sflag:s2] =	ssyncadd.s32 $0xFFFFF800  }
0x5d: {  	v0 =	vld [tilespmem:s14+$0xCE40]  }
0x5e: {  	v1 =	vld [tilespmem:s14+$0xCE50]  }
0x5f: {  	s15 =	simm.s32 $0x0;
	s16 =	simm.s32 $0x80;
	v2 =	vld [tilespmem:s14+$0x640]  }
.LBB2_3:
0x60: {  	p0 =	sne.s32 s16, $0x6380;
	v3 =	vld [tilespmem:s15+$0x650];
	_ =	sdelay $0x2  }
.Ltmp0:
0x61: {  	(pc) =	sbr.rel @p0 .LBB2_3-.Ltmp0, $4  }
0x62: {  	s17 =	sshra.s32 s16, $0x2;
	v2 =	vadd.f32 v0, v2  }
0x63: {  	v0 =	vld [tilespmem:s17+$0xCE40];
	v3 =	vadd.f32 v1, v3  }
0x64: {  	v1 =	vld [tilespmem:s17+$0xCE50];
	[tilespmem:s15+$0x640] =	vst v2  }
0x65: {  	s16 =	sadd.s32 $0x80, s16;
	v2 =	vld [tilespmem:s17+$0x640];
	[tilespmem:s15+$0x650] =	vst v3;
	s15 =	smov.u32 s17  }
0x66: {  	v3 =	vld [tilespmem:s15+$0x650];
	_ =	sdelay $0x3  }
0x67: {  	v0 =	vadd.f32 v0, v2  }
0x68: {  	v1 =	vadd.f32 v1, v3  }
0x69: {  	[tilespmem:s15+$0x640] =	vst v0  }
0x6a: {  	[tilespmem:s15+$0x650] =	vst v1  }
0x6b: {  	v0 =	vld [tilespmem:s14+$0xCE40]  }
0x6c: {  	v1 =	vld [tilespmem:s14+$0xCE50]  }
0x6d: {  	s15 =	simm.s32 $0x80;
	v2 =	vld [tilespmem:s14+$0x1F40]  }
.LBB2_5:
0x6e: {  	p0 =	sne.s32 s15, $0x6380;
	v3 =	vld [tilespmem:s14+$0x1F50];
	_ =	sdelay $0x2  }
.Ltmp1:
0x6f: {  	(pc) =	sbr.rel @p0 .LBB2_5-.Ltmp1, $4  }
0x70: {  	s16 =	sshra.s32 s15, $0x2;
	v2 =	vadd.f32 v0, v2  }
0x71: {  	v0 =	vld [tilespmem:s16+$0xCE40];
	v3 =	vadd.f32 v1, v3  }
0x72: {  	v1 =	vld [tilespmem:s16+$0xCE50];
	[tilespmem:s14+$0x1F40] =	vst v2  }
0x73: {  	s15 =	sadd.s32 $0x80, s15;
	v2 =	vld [tilespmem:s16+$0x1F40];
	[tilespmem:s14+$0x1F50] =	vst v3;
	s14 =	smov.u32 s16  }
0x74: {  	v3 =	vld [tilespmem:s14+$0x1F50];
	_ =	sdelay $0x3  }
0x75: {  	v0 =	vadd.f32 v0, v2  }
0x76: {  	v1 =	vadd.f32 v1, v3  }
0x77: {  	[tilespmem:s14+$0x1F40] =	vst v0  }
0x78: {  	[tilespmem:s14+$0x1F50] =	vst v1;
	s14 =	simm.s32 $0x0  }
0x79: {  	v0 =	vld [tilespmem:s14+$0xCE40]  }
0x7a: {  	v1 =	vld [tilespmem:s14+$0xCE50]  }
0x7b: {  	s16 =	simm.s32 $0x80;
	s15 =	simm.s32 $0x0;
	v2 =	vld [tilespmem:s14+$0x3840]  }
.LBB2_7:
0x7c: {  	p0 =	sne.s32 s16, $0x6380;
	v3 =	vld [tilespmem:s15+$0x3850];
	_ =	sdelay $0x2  }
.Ltmp2:
0x7d: {  	(pc) =	sbr.rel @p0 .LBB2_7-.Ltmp2, $4  }
0x7e: {  	s17 =	sshra.s32 s16, $0x2;
	v2 =	vadd.f32 v0, v2  }
0x7f: {  	v0 =	vld [tilespmem:s17+$0xCE40];
	v3 =	vadd.f32 v1, v3  }
0x80: {  	v1 =	vld [tilespmem:s17+$0xCE50];
	[tilespmem:s15+$0x3840] =	vst v2  }
0x81: {  	s16 =	sadd.s32 $0x80, s16;
	v2 =	vld [tilespmem:s17+$0x3840];
	[tilespmem:s15+$0x3850] =	vst v3;
	s15 =	smov.u32 s17  }
0x82: {  	v3 =	vld [tilespmem:s15+$0x3850];
	_ =	sdelay $0x3  }
0x83: {  	v0 =	vadd.f32 v0, v2  }
0x84: {  	v1 =	vadd.f32 v1, v3  }
0x85: {  	[tilespmem:s15+$0x3840] =	vst v0  }
0x86: {  	[tilespmem:s15+$0x3850] =	vst v1  }
0x87: {  	v0 =	vld [tilespmem:s14+$0xCE40]  }
0x88: {  	v1 =	vld [tilespmem:s14+$0xCE50]  }
0x89: {  	s15 =	simm.s32 $0x80;
	v2 =	vld [tilespmem:s14+$0x5140]  }
.LBB2_9:
0x8a: {  	p0 =	sne.s32 s15, $0x6380;
	v3 =	vld [tilespmem:s14+$0x5150];
	_ =	sdelay $0x2  }
.Ltmp3:
0x8b: {  	(pc) =	sbr.rel @p0 .LBB2_9-.Ltmp3, $4  }
0x8c: {  	s16 =	sshra.s32 s15, $0x2;
	v2 =	vadd.f32 v0, v2  }
0x8d: {  	v0 =	vld [tilespmem:s16+$0xCE40];
	v3 =	vadd.f32 v1, v3  }
0x8e: {  	v1 =	vld [tilespmem:s16+$0xCE50];
	[tilespmem:s14+$0x5140] =	vst v2  }
0x8f: {  	s15 =	sadd.s32 $0x80, s15;
	v2 =	vld [tilespmem:s16+$0x5140];
	[tilespmem:s14+$0x5150] =	vst v3;
	s14 =	smov.u32 s16  }
0x90: {  	v3 =	vld [tilespmem:s14+$0x5150];
	_ =	sdelay $0x3  }
0x91: {  	v0 =	vadd.f32 v0, v2  }
0x92: {  	v1 =	vadd.f32 v1, v3  }
0x93: {  	[tilespmem:s14+$0x5140] =	vst v0  }
0x94: {  	[tilespmem:s14+$0x5150] =	vst v1;
	s14 =	simm.s32 $0x0  }
0x95: {  	v0 =	vld [tilespmem:s14+$0xCE40]  }
0x96: {  	v1 =	vld [tilespmem:s14+$0xCE50]  }
0x97: {  	s16 =	simm.s32 $0x80;
	s15 =	simm.s32 $0x0;
	v2 =	vld [tilespmem:s14+$0x6A40]  }
.LBB2_11:
0x98: {  	p0 =	sne.s32 s16, $0x6380;
	v3 =	vld [tilespmem:s15+$0x6A50];
	_ =	sdelay $0x2  }
.Ltmp4:
0x99: {  	(pc) =	sbr.rel @p0 .LBB2_11-.Ltmp4, $4  }
0x9a: {  	s17 =	sshra.s32 s16, $0x2;
	v2 =	vadd.f32 v0, v2  }
0x9b: {  	v0 =	vld [tilespmem:s17+$0xCE40];
	v3 =	vadd.f32 v1, v3  }
0x9c: {  	v1 =	vld [tilespmem:s17+$0xCE50];
	[tilespmem:s15+$0x6A40] =	vst v2  }
0x9d: {  	s16 =	sadd.s32 $0x80, s16;
	v2 =	vld [tilespmem:s17+$0x6A40];
	[tilespmem:s15+$0x6A50] =	vst v3;
	s15 =	smov.u32 s17  }
0x9e: {  	v3 =	vld [tilespmem:s15+$0x6A50];
	_ =	sdelay $0x3  }
0x9f: {  	v0 =	vadd.f32 v0, v2  }
0xa0: {  	v1 =	vadd.f32 v1, v3  }
0xa1: {  	[tilespmem:s15+$0x6A40] =	vst v0  }
0xa2: {  	[tilespmem:s15+$0x6A50] =	vst v1  }
0xa3: {  	v0 =	vld [tilespmem:s14+$0xCE40]  }
0xa4: {  	v1 =	vld [tilespmem:s14+$0xCE50]  }
0xa5: {  	s15 =	simm.s32 $0x80;
	v2 =	vld [tilespmem:s14+$0x8340]  }
.LBB2_13:
0xa6: {  	p0 =	sne.s32 s15, $0x6380;
	v3 =	vld [tilespmem:s14+$0x8350];
	_ =	sdelay $0x2  }
.Ltmp5:
0xa7: {  	(pc) =	sbr.rel @p0 .LBB2_13-.Ltmp5, $4  }
0xa8: {  	s16 =	sshra.s32 s15, $0x2;
	v2 =	vadd.f32 v0, v2  }
0xa9: {  	v0 =	vld [tilespmem:s16+$0xCE40];
	v3 =	vadd.f32 v1, v3  }
0xaa: {  	v1 =	vld [tilespmem:s16+$0xCE50];
	[tilespmem:s14+$0x8340] =	vst v2  }
0xab: {  	s15 =	sadd.s32 $0x80, s15;
	v2 =	vld [tilespmem:s16+$0x8340];
	[tilespmem:s14+$0x8350] =	vst v3;
	s14 =	smov.u32 s16  }
0xac: {  	v3 =	vld [tilespmem:s14+$0x8350];
	_ =	sdelay $0x3  }
0xad: {  	v0 =	vadd.f32 v0, v2  }
0xae: {  	v1 =	vadd.f32 v1, v3  }
0xaf: {  	[tilespmem:s14+$0x8340] =	vst v0  }
0xb0: {  	[tilespmem:s14+$0x8350] =	vst v1;
	s14 =	simm.s32 $0x0  }
0xb1: {  	v0 =	vld [tilespmem:s14+$0xCE40]  }
0xb2: {  	v1 =	vld [tilespmem:s14+$0xCE50]  }
0xb3: {  	s16 =	simm.s32 $0x80;
	s15 =	simm.s32 $0x0;
	v2 =	vld [tilespmem:s14+$0x9C40]  }
.LBB2_15:
0xb4: {  	p0 =	sne.s32 s16, $0x6380;
	v3 =	vld [tilespmem:s15+$0x9C50];
	_ =	sdelay $0x2  }
.Ltmp6:
0xb5: {  	(pc) =	sbr.rel @p0 .LBB2_15-.Ltmp6, $4  }
0xb6: {  	s17 =	sshra.s32 s16, $0x2;
	v2 =	vadd.f32 v0, v2  }
0xb7: {  	v0 =	vld [tilespmem:s17+$0xCE40];
	v3 =	vadd.f32 v1, v3  }
0xb8: {  	v1 =	vld [tilespmem:s17+$0xCE50];
	[tilespmem:s15+$0x9C40] =	vst v2  }
0xb9: {  	s16 =	sadd.s32 $0x80, s16;
	v2 =	vld [tilespmem:s17+$0x9C40];
	[tilespmem:s15+$0x9C50] =	vst v3;
	s15 =	smov.u32 s17  }
0xba: {  	v3 =	vld [tilespmem:s15+$0x9C50];
	_ =	sdelay $0x3  }
0xbb: {  	v0 =	vadd.f32 v0, v2  }
0xbc: {  	v1 =	vadd.f32 v1, v3  }
0xbd: {  	[tilespmem:s15+$0x9C40] =	vst v0  }
0xbe: {  	[tilespmem:s15+$0x9C50] =	vst v1  }
0xbf: {  	v0 =	vld [tilespmem:s14+$0xCE40]  }
0xc0: {  	v1 =	vld [tilespmem:s14+$0xCE50]  }
0xc1: {  	s15 =	simm.s32 $0x80;
	v2 =	vld [tilespmem:s14+$0xB540]  }
.LBB2_17:
0xc2: {  	p0 =	sne.s32 s15, $0x6380;
	v3 =	vld [tilespmem:s14+$0xB550];
	_ =	sdelay $0x2  }
.Ltmp7:
0xc3: {  	(pc) =	sbr.rel @p0 .LBB2_17-.Ltmp7, $4  }
0xc4: {  	s16 =	sshra.s32 s15, $0x2;
	v2 =	vadd.f32 v0, v2  }
0xc5: {  	v0 =	vld [tilespmem:s16+$0xCE40];
	v3 =	vadd.f32 v1, v3  }
0xc6: {  	v1 =	vld [tilespmem:s16+$0xCE50];
	[tilespmem:s14+$0xB540] =	vst v2  }
0xc7: {  	s15 =	sadd.s32 $0x80, s15;
	v2 =	vld [tilespmem:s16+$0xB540];
	[tilespmem:s14+$0xB550] =	vst v3;
	s14 =	smov.u32 s16  }
0xc8: {  	v3 =	vld [tilespmem:s14+$0xB550];
	_ =	sdelay $0x3  }
0xc9: {  	v0 =	vadd.f32 v0, v2  }
0xca: {  	s4 =	sadd.s32 $0x1, s4;
	v1 =	vadd.f32 v1, v3  }
0xcb: {  	s13 =	sshll.u32 s13, $0x2;
	s16 =	rddreg [dreg:$0x2];
	p0 =	sne.s32 s4, $0x10;
	[tilespmem:s14+$0xB540] =	vst v0  }
.Ltmp8:
0xcc: {  	s17 =	simm.s32 $0x0;
	s13 =	sadd.s32 s16, s13;
	[tilespmem:s14+$0xB550] =	vst v1;
	(pc) =	sbr.rel @p0 .LBB2_2-.Ltmp8, $4  }
0xcd: {  	[hbm4b:s13+s17] =	stream.linear.scatter [tilespmem:s12], [sflag:$0x2], $0xC800, $0x38;
	[tilespmem:$0xE740] =	vst v63  }
0xce: {  	_ =	swait.ge [sflag:s10], $0xC800  }
0xcf: {  	[sflag:s10] =	ssyncset.done $0x0  }
0xd0: {  	[sflag:s10] =	ssyncadd.s32 $0xFFFF3800  }
0xd1: {  	s13 =	rddreg [dreg:$0x6]  }
0xd2: {  	s4 =	rddreg [dreg:$0x5];
	s13 =	sadd.s32 $0x1, s13  }
0xd3: {  	p0 =	sne.s32 s13, s4  }
.Ltmp9:
0xd4: {  	_ = 	snop;
	(pc) =	sbr.rel @p0 .LBB2_1-.Ltmp9, $1  }
0xd5: {  	_ =	sdelay $0x3  }
0xd6: {  	_ =	sfence.sel $0x180000  }
0xd7: {  	[bflag:$0x0] =	sbarrier.arrive $0xFFFF  }
0xd8: {  	_ =	strace $0x90000047  }
0xd9: {  	s0 =	stileid.u32;
	[bflag:$0x2] =	sbarrier.arrive $0xFFFF  }
0xda: {  	p0 =	sne.s32 s0, $0x0;
	s0 =	rddreg [dreg:$0x3]  }
0xdb: {  	s0 =	sadd.s32 @!p0 $0x100000, s0  }
0xdc: {  	[sflag:s0] =	ssyncadd.tile.s32 @!p0 $0x1;
	_ =	shalt  }
.Lfunc_end2:
_tile_overlayer_lowered:
.L_overlay_start_2:
0xdd: {  	(tag) =	ssettag $0x2  }
0xde: {  	s0 =	rddreg [dreg:$0x0];
	s2 =	stileid.u32  }
0xdf: {  	s1 =	rddreg [dreg:$0x1];
	p0 =	sne.s32 s2, $0x0  }
0xe0: {  	s3 =	rddreg [dreg:$0x2];
	[bflag:$0x3] =	sbarrier.arrive $0xFFFF;
	s2 =	simm.s32 @!p0 $0x1C02  }
0xe1: {  	[timem:s3], [sflag:s2] =	dma.local @!p0 [hbm:s0], s1  }
0xe2: {  	s0 =	simm.s32 @!p0 $0x2  }
0xe3: {  	_ =	swait.ge @!p0 [sflag:s0], s1  }
0xe4: {  	s1 =	ssub.s32 @!p0 $0x0, s1;
	[sflag:s0] =	ssyncset.done @!p0 $0x0  }
0xe5: {  	[sflag:s0] =	ssyncadd.s32 @!p0 s1  }
0xe6: {  	[bflag:$0x3] =	sbarrier.arrive $0xFFFF  }
0xe7: {  	_ =	shalt  }

// kernel: sparse-core-data-format-call.cloned.1.call-start
scs
called_computation_lowered:
.L_overlay_start_0:
0x0: {  	s2 =	sld [smem:$0x3FD9]  }
0x1: {  	s3 =	sld [smem:$0x3FFE];
	_ =	sdelay $0x1  }
0x2: {  	s1 =	srdreg.scid  }
0x3: {  	s0 =	sand.u32 $0x1, s1  }
0x4: {  	s18 =	sshll.u32 s0, $0xA;
	s2 =	sadd.s32 s3, s2  }
0x5: {  	s2 =	sadd.s32 s2, s18  }
0x6: {  	[smem:$0x3FC5] =	sst s2  }
0x7: {  	_ = 	snop  }
0x8: {  	s2 =	sld [smem:$0x3FD0];
	(tm) =	ssettm $0x1  }
0x9: {  	s19 =	sld [smem:$0x3FFB];
	_ =	sdelay $0x3  }
0xa: {  	_ =	strace s19  }
0xb: {  	s3 =	sld [smem:$0x3FFC];
	_ =	sdelay $0x3  }
0xc: {  	_ =	strace s3  }
0xd: {  	s3 =	sld [smem:$0x3FFD];
	_ =	sdelay $0x3  }
0xe: {  	_ =	strace s3  }
0xf: {  	_ =	strace $0x8FFFFFFF  }
0x10: {  	s20 =	sld [smem:$0x3FDB];
	_ =	sdelay $0x1  }
0x11: {  	s4 =	simm.s32 $_scs_section_size  }
0x12: {  	s5 =	simm.s32 $_size__tile_overlayer_lowered;
	s6 =	simm.s32 $_tile_overlayer_lowered  }
0x13: {  	s23 =	simm.s32 $0x1BFF;
	s22 =	sshll.u32 s6, $0x1;
	s3 =	sadd.s32 s4, s20  }
0x14: {  	s7 =	simm.s32 $0x0;
	s21 =	sshll.u32 s5, $0x1;
	s5 =	sadd.s32 s22, s3  }
0x15: {  	[timem:s7], [sflag:s23] =	dma.local [hbm:s5], s21  }
0x16: {  	_ =	swait.ge [sflag:s23], s21  }
0x17: {  	s4 =	ssub.s32 $0x0, s21;
	[sflag:s23] =	ssyncset.done $0x0  }
0x18: {  	[sflag:s23] =	ssyncadd.s32 s4;
	_ =	sdelay $0x1  }
0x19: {  	s24 =	simm.s32 $0x1B8B  }
0x1a: {  	_ =	swait.ge [sflag:s24], $0x1  }
0x1b: {  	[sflag:s24] =	ssyncset.done $0x0  }
0x1c: {  	s26 =	simm.s32 $0x1B8E;
	s25 =	sld [smem:$0x3FFE];
	[sflag:s24] =	ssyncadd.s32 $0xFFFFFFFF  }
0x1d: {  	s27 =	simm.s32 $execute0_lowered;
	[smem:$0x3FD2] =	sst s26  }
0x1e: {  	s5 =	sshll.u32 s27, $0x1;
	_ =	strace $0x80000049;
	[dreg:$0x1] =	wrdreg $0xFFFFFFFF  }
0x1f: {  	s28 =	simm.s32 $_size_execute0_lowered;
	s3 =	sadd.s32 s3, s5;
	[dreg:$0x0] =	wrdreg $0x0  }
0x20: {  	s5 =	sshll.u32 s28, $0x1;
	[dreg:$0x2] =	wrdreg s3  }
0x21: {  	[dreg:$0x3] =	wrdreg s5  }
0x22: {  	[dreg:$0x4] =	wrdreg $0xC0  }
0x23: {  	_ =	task [dreg:s7], $0x5FFFF  }
0x24: {  	[dreg:$0x1] =	wrdreg $0xFFFFFFFF  }
0x25: {  	[dreg:$0x0] =	wrdreg $0x60  }
0x26: {  	[dreg:$0x2] =	wrdreg s25  }
0x27: {  	[dreg:$0x3] =	wrdreg s2  }
0x28: {  	[dreg:$0x4] =	wrdreg $0x9  }
0x29: {  	_ =	task.clear_ibuf [dreg:s7], $0x5FFFF;
	_ =	strace $0x90000049  }
0x2a: {  	s29 =	simm.s32 $0x9;
	_ =	strace $0x8000004B  }
0x2b: {  	_ =	swait.ge [sflag:s29], $0x1  }
0x2c: {  	[sflag:s29] =	ssyncadd.s32 $0xFFFFFFFF  }
0x2d: {  	_ =	strace $0x9000004B  }
0x2e: {  	_ =	sfence  }
0x2f: {  	s30 =	sld [smem:$0x0];
	_ =	sdelay $0x2  }
0x30: {  	s31 =	sshll.u32 s1, $0xD;
	s1 =	sshrl.u32 s1, $0x2  }
0x31: {  	s3 =	sand.u32 $0x4000, s31;
	s1 =	sadd.s32 s1, s30  }
0x32: {  	s0 =	sor.u32 s3, s0;
	s1 =	sshll.u32 s1, $0x11  }
0x33: {  	s0 =	sor.u32 s1, s0  }
0x34: {  	s0 =	sadd.s32 $0x8F2B, s0  }
0x35: {  	[sflag:s0] =	ssyncadd.remote.s32 $0x1  }
0x36: {  	_ =	sfence.sel $0xFFFF  }
0x37: {  	[dreg:$0x0] =	wrdreg $0xFFFFFFFF;
	(pc) =	sbr.abs _section_cstart, $3  }
0x38: {  	[dreg:$0x1] =	wrdreg $0xFFFFFFFF  }
0x39: {  	_ =	task.clear_ibuf [dreg:s7], $0x2FFFF;
	_ =	strace $0x9FFFFFFF  }
0x3a: {  	(tm) =	ssettm $0x7FFFFFFF  }
0x3b: {  	_ =	shalt  }
tec
execute0_lowered:
.L_overlay_start_1:
0x0: {  	(tag) =	ssettag $0x1  }
0x1: {  	s0 =	srdreg.scid  }
0x2: {  	s1 =	sshll.u32 s0, $0x4  }
0x3: {  	s4 =	rddreg [dreg:$0x0];
	s0 =	stileid.u32;
	s1 =	sand.u32 $0x10, s1  }
0x4: {  	s2 =	rddreg [dreg:$0x1];
	s7 =	simm.s32 $0x1;
	s1 =	sor.u32 s0, s1  }
0x5: {  	s8 =	simm.s32 $0x2;
	s11 =	simm.s32 $0x0;
	s3 =	sshll.u32 s1, $0x7  }
0x6: {  	s10 =	simm.s32 $0x0;
	s4 =	sadd.s32 $0xA00, s4;
	s6 =	ssub.s32 $0xC8000, s3  }
.Ltmp0:
0x7: {  	s1 =	rddreg [dreg:$0x2];
	s5 =	sand.u32 $0xF80, s6;
	(pc) =	sbr.rel .LBB1_1-.Ltmp0, $4  }
0x8: {  	_ =	strace $0x8000004A;
	s9 =	smov.u32 s3;
	p0 =	sne.s32 s5, $0x0  }
0x9: {  	s6 =	sshrl.u32 s6, $0xC;
	s5 =	simm.s32 $0x1;
	s7 =	simm.s32 @!p0 $0x0  }
0xa: {  	[sflag:s5] =	ssyncpa.u1 $0x0;
	p0 =	por $0x0, $0x0;
	s6 =	sadd.s32 s7, s6  }
0xb: {  	[sflag:s8] =	ssyncpa.u1 $0x0;
	s8 =	simm.s32 $0x640000;
	s7 =	sadd.s32 $0x1, s6  }
.LBB1_4:
0xc: {  	s14 =	sshll.u32 s11, $0x3  }
0xd: {  	s30 =	sand.u32 $0x7F, s11;
	s15 =	sand.u32 $0xFFFFFC00, s14  }
0xe: {  	s11 =	sor.u32 s30, s15  }
0xf: {  	s15 =	smulhi.u32 $0x51EB851F, s11  }
0x10: {  	s14 =	smulhi.u32 $0x51EB851F, s14  }
0x11: {  	s15 =	sshrl.u32 s15, $0x12  }
0x12: {  	s14 =	sshrl.u32 s14, $0x12;
	s15 =	smul.u32 $0xC8000, s15  }
0x13: {  	s14 =	sand.u32 $0x1F, s14  }
0x14: {  	s14 =	smul.u32 $0x19000, s14;
	s11 =	ssub.s32 s11, s15  }
0x15: {  	s15 =	sand.u32 $0x7, s11  }
0x16: {  	s14 =	sadd.s32 s2, s14;
	s11 =	sshrl.u32 s11, $0x3;
	s15 =	sshll.u32 s15, $0x12  }
0x17: {  	[tilespmem:s13+$0x0 ss:$0x81] =	vst.msk $0xffff, v0;
	s11 =	sadd.s32 s11, s14;
	s31 =	sor.u32 $0x400, s15  }
0x18: {  	[hbm4b:s11+s31] =	stream.strided.scatter [tilespmem:s12], [sflag:$0x2], $0x1000, s8, s31, $0x20;
	[tilespmem:$0x4040] =	vst v63  }
.LBB1_5:
0x19: {  	s13 =	sadd.s32 $0x1000, s9  }
0x1a: {  	p2 =	sgt.s32 s13, $0xC7FFF  }
0x1b: {  	s13 =	smov.u32 @p2 s3;
	p2 =	sne.s32 s10, s7  }
.Ltmp1:
0x1c: {  	p1 =	slt.u32 s10, $0x2;
	(pc) =	sbr.rel @!p2 .LBB1_6-.Ltmp1, $4  }
0x1d: {  	s12 =	simm.s32 @!p1 $0x2  }
0x1e: {  	s14 =	sadd.s32 $0x1, s10;
	_ =	swait.ge @!p1 [sflag:s12], $0x1000  }
0x1f: {  	s11 =	smov.u32 s9;
	p0 =	por !p0, !p0;
	[sflag:s12] =	ssyncset.done @!p1 $0x0  }
0x20: {  	s10 =	smov.u32 s14;
	s9 =	smov.u32 s13;
	[sflag:s12] =	ssyncadd.s32 @!p1 $0xFFFFF000  }
.LBB1_1:
0x21: {  	p1 =	sge.u32 s10, s6  }
0x22: {  	s12 =	sand.u32 @!p1 $0x1FFFFFF, s9  }
0x23: {  	s13 =	smulhi.u32 @!p1 $0x147AE15, s12;
	_ =	sdelay $0x1  }
0x24: {  	s13 =	sshrl.u32 @!p1 s13, $0xC  }
0x25: {  	s13 =	smul.u32 @!p1 $0xC8000, s13;
	_ =	sdelay $0x1  }
0x26: {  	s31 =	sadd.s32 $0xFFFFFFFF, s10;
	s14 =	sxor.u32 @!p1 $0xFFFFFFFF, s10;
	s12 =	ssub.s32 @!p1 s12, s13  }
0x27: {  	s15 =	simm.s32 @!p1 $0x80;
	s14 =	sshll.u32 @!p1 s14, $0xC;
	s12 =	sshll.u32 @!p1 s12, $0x4  }
0x28: {  	s13 =	sand.u32 @!p1 $0x1000, s14;
	s14 =	simm.s32 @!p1 $0x20;
	s12 =	sadd.s32 @!p1 s4, s12  }
0x29: {  	[tilespmem:s13], [sflag:$0x1] =	stream.strided.gather @!p1 [hbm4b:s12+s14], $0x1000, s15, s14, $0x38;
	[tilespmem:$0x4040] =	vst v63  }
0x2a: {  	p1 =	sge.u32 s31, s6  }
.Ltmp2:
0x2b: {  	_ = 	snop;
	(pc) =	sbr.rel @p1 .LBB1_5-.Ltmp2, $1  }
0x2c: {  	_ =	sdelay $0x3  }
0x2d: {  	s12 =	simm.s32 $0x1  }
0x2e: {  	_ =	swait.ge [sflag:s5], $0x1000;
	s12 =	simm.s32 @!p0 $0x0  }
0x2f: {  	[sflag:s5] =	ssyncset.done $0x0;
	s13 =	sshll.u32 s12, $0xC  }
0x30: {  	[sflag:s5] =	ssyncadd.s32 $0xFFFFF000;
	s16 =	sor.u32 $0x10, s13  }
0x31: {  	s12 =	smul.u32 $0x4080, s12;
	v1 =	vld [tilespmem:s16+$0x0]  }
0x32: {  	s30 =	sand.u32 $0x1, s10;
	v0 =	vld [tilespmem:s16+$0xFFFFFFF0]  }
0x33: {  	s13 =	smul.u32 $0x4080, s30;
	s12 =	sshrl.u32 s12, $0x2  }
0x34: {  	s14 =	sor.u32 $0x2000, s12  }
0x35: {  	s31 =	sshrl.u32 s13, $0x2;
	s13 =	sadd.s32 $0x0, s14  }
0x36: {  	s15 =	simm.s32 $0x4;
	s16 =	sadd.s32 $0x20, s16;
	s12 =	sor.u32 $0x2000, s31;
	[tilespmem:s13+$0x810 ss:$0x81] =	vst.msk $0xffff, v1  }
.LBB1_3:
0x37: {  	v1 =	vld [tilespmem:s16+$0x0];
	p1 =	sne.s32 s15, $0x1FC;
	[tilespmem:s13+$0x0 ss:$0x81] =	vst.msk $0xffff, v0;
	s13 =	smov.u32 s15;
	s15 =	sadd.s32 $0x4, s15  }
.Ltmp3:
0x38: {  	v0 =	vld [tilespmem:s16+$0xFFFFFFF0];
	(pc) =	sbr.rel @p1 .LBB1_3-.Ltmp3, $4  }
0x39: {  	_ = 	snop  }
0x3a: {  	s13 =	sshra.s32 s13, $0x2  }
0x3b: {  	s13 =	sadd.s32 s13, s14  }
0x3c: {  	s16 =	sadd.s32 $0x20, s16;
	[tilespmem:s13+$0x810 ss:$0x81] =	vst.msk $0xffff, v1  }
.Ltmp4:
0x3d: {  	_ = 	snop;
	(pc) =	sbr.rel .LBB1_4-.Ltmp4, $1  }
0x3e: {  	_ =	sdelay $0x3  }
.LBB1_6:
0x3f: {  	_ =	sfence.sel $0x180000  }
0x40: {  	s2 =	simm.s32 $0x1;
	[bflag:$0x0] =	sbarrier.arrive $0xFFFF  }
0x41: {  	s31 =	simm.s32 $0x2;
	[sflag:s2] =	ssyncpa.u1 $0x1  }
0x42: {  	[sflag:s31] =	ssyncpa.u1 $0x1  }
0x43: {  	p0 =	sne.s32 s0, $0x0;
	_ =	strace $0x9000004A  }
0x44: {  	s0 =	sadd.s32 @!p0 $0x100000, s1;
	[bflag:$0x2] =	sbarrier.arrive $0xFFFF  }
0x45: {  	[sflag:s0] =	ssyncadd.tile.s32 @!p0 $0x1;
	_ =	shalt  }
.Lfunc_end1:
_tile_overlayer_lowered:
.L_overlay_start_2:
0x46: {  	(tag) =	ssettag $0x2  }
0x47: {  	s0 =	rddreg [dreg:$0x0];
	s2 =	stileid.u32  }
0x48: {  	s1 =	rddreg [dreg:$0x1];
	p0 =	sne.s32 s2, $0x0  }
0x49: {  	s3 =	rddreg [dreg:$0x2];
	[bflag:$0x3] =	sbarrier.arrive $0xFFFF;
	s2 =	simm.s32 @!p0 $0x1C01  }
0x4a: {  	[timem:s3], [sflag:s2] =	dma.local @!p0 [hbm:s0], s1  }
0x4b: {  	s0 =	simm.s32 @!p0 $0x1  }
0x4c: {  	_ =	swait.ge @!p0 [sflag:s0], s1  }
0x4d: {  	s1 =	ssub.s32 @!p0 $0x0, s1;
	[sflag:s0] =	ssyncset.done @!p0 $0x0  }
0x4e: {  	[sflag:s0] =	ssyncadd.s32 @!p0 s1  }
0x4f: {  	[bflag:$0x3] =	sbarrier.arrive $0xFFFF  }
0x50: {  	_ =	shalt  }

</sc_bundles>
